<compile_context>
chip_gen: v7x
topology: tpu7x:2x2x1
jax: 0.10.2.dev20260603
libtpu: 0.0.44.dev20260713+nightly
codegen_flags: <defaults>
</compile_context>

<pallas_src>
import functools

import jax
import jax.numpy as jnp
from jax import lax
from jax.experimental import pallas as pl
from jax.experimental.pallas import tpu as pltpu
from jax.experimental.pallas import tpu_sc as plsc

_T = 100000
_B = 16384
_D = 64
_I = 128
_X = 2
_NSUB = 2

_NC = 2
_NS = 16
_NW = _NC * _NS
_SUB = 128
_NE = _B * _X * _NSUB
_K = _NE // (_NW * _SUB)


def _sc_gather_body(idx_hbm, table_hbm, out_hbm, tab_sp, idx_v, rows_v, sem):
    sid = lax.axis_index("s")
    wid = sid * _NC + lax.axis_index("c")
    @pl.when(sid == 0)
    def _():
        pltpu.sync_copy(table_hbm, tab_sp)

    pltpu.sync_copy(idx_hbm.at[wid], idx_v)
    plsc.subcore_barrier()
    copies = []
    for j in range(_K):
        copies.append(
            pltpu.make_async_copy(tab_sp.at[idx_v.at[j]], rows_v.at[j], sem)
        )
    for c in copies:
        c.start()
    for c in copies:
        c.wait()
    pltpu.sync_copy(rows_v, out_hbm.at[wid])


@jax.jit
def _sc_gather(idx, table_flat):
    mesh = plsc.VectorSubcoreMesh(core_axis_name="c", subcore_axis_name="s")
    fn = functools.partial(
        pl.kernel,
        mesh=mesh,
        out_type=jax.ShapeDtypeStruct((_NW, _K, _SUB), jnp.float32),
        scratch_types=[
            pltpu.VMEM_SHARED((_T * _NSUB,), jnp.float32),
            pltpu.VMEM((_K, _SUB), jnp.int32),
            pltpu.VMEM((_K, _SUB), jnp.float32),
            pltpu.SemaphoreType.DMA,
        ],
    )(_sc_gather_body)
    return fn(idx, table_flat)


def _combine_body(vals_ref, cw_ref, xT_ref, w_ref, o_ref):
    v = vals_ref[...]
    sp = jnp.maximum(v, 0.0) + jnp.log1p(jnp.exp(-jnp.abs(v)))
    cw = cw_ref[...]
    w0 = sp[0:1, :] * cw[0:1, :] + sp[2:3, :] * cw[1:2, :]
    w1 = sp[1:2, :] * cw[0:1, :] + sp[3:4, :] * cw[1:2, :]
    xT = xT_ref[...]
    xs = jnp.concatenate([xT * w0, xT * w1], axis=0)
    o_ref[...] = lax.dot_general(
        xs, w_ref[...], (((0,), (0,)), ((), ())),
        preferred_element_type=jnp.float32)


def _tc_combine(vals, cwT, xT, wcat, blk):
    nblk = _B // blk
    return pl.pallas_call(
        _combine_body,
        grid=(nblk,),
        in_specs=[
            pl.BlockSpec((_X * _NSUB, blk), lambda i: (0, i)),
            pl.BlockSpec((_X, blk), lambda i: (0, i)),
            pl.BlockSpec((_D, blk), lambda i: (0, i)),
            pl.BlockSpec((2 * _D, _I), lambda i: (0, 0)),
        ],
        out_specs=pl.BlockSpec((blk, _I), lambda i: (i, 0)),
        out_shape=jax.ShapeDtypeStruct((_B, _I), jnp.float32),
    )(vals, cwT, xT, wcat)


def kernel(x, coords, coord_weights, sub_layer_weights, W0, W1):
    xT = x.T
    cwT = coord_weights.T
    cT = coords.reshape(_B, _X).T.astype(jnp.int32)
    flat_t = sub_layer_weights.T.reshape(_T * _NSUB)
    c0, c1 = cT[0], cT[1]
    idx4 = jnp.stack([c0, _T + c0, c1, _T + c1])
    idx = idx4.reshape(_NW, _K, _SUB)
    vals = _sc_gather(idx, flat_t).reshape(_X * _NSUB, _B)
    wcat = jnp.concatenate([W0, W1], axis=0)
    return _tc_combine(vals, cwT, xT, wcat, blk=2048)

# --- scband reference (transcript-rebuilt; emitter-appended) ---
"""Pipeline reference for scband-time-varying-linear-541165879433 (READ-ONLY COPY).

The authoritative reference and input builder live on the scoring server;
editing this copy changes nothing except your own understanding.
"""

import jax, jax.numpy as jnp
import numpy as np

T = 100000   # time_shape[0]
B = 16384    # batch
D = 64       # query feature dim
I = 128      # number of scored items per example
X = 2        # interpolation coords per example
NSUB = 2     # number of sub layers


def setup_inputs(seed: int = 0) -> dict:
    key = jax.random.key(seed)
    ks = jax.random.split(key, 6)
    x = jax.random.normal(ks[0], (B, D), dtype=jnp.float32)
    coords = jax.random.randint(ks[1], (B, X, 1), 0, T, dtype=jnp.int64)
    coord_weights = jax.random.uniform(ks[2], (B, X), dtype=jnp.float32)
    # learned params: time-varying mixing table (constant_initializer(16)) and two linear scorers
    sub_layer_weights = jnp.full((T, NSUB), 16.0, dtype=jnp.float32)
    W0 = jax.random.normal(ks[3], (D, I), dtype=jnp.float32) * 0.05
    W1 = jax.random.normal(ks[4], (D, I), dtype=jnp.float32) * 0.05
    return {
        'x': x,
        'coords': coords,
        'coord_weights': coord_weights,
        'sub_layer_weights': sub_layer_weights,
        'W0': W0,
        'W1': W1,
    }


def reference(x, coords, coord_weights, sub_layer_weights, W0, W1):
    # softplus on the raw table
    slw = jax.nn.softplus(sub_layer_weights)                      # [T, NSUB]
    # tf.gather_nd(slw, coords) with index depth 1 -> gather rows
    vals = jnp.take(slw, coords[..., 0], axis=0)                  # [B, X, NSUB]
    # einsum '...xo,...x->...o': interpolate mixing weights over time coords
    w = jnp.einsum('bxo,bx->bo', vals, coord_weights)             # [B, NSUB]
    # sub layers: two linear scorers applied to input 0 (arg_maps = [[0],[0]])
    s0 = x @ W0                                                   # [B, I]
    s1 = x @ W1                                                   # [B, I]
    sub_vals = jnp.stack([s0, s1], axis=-1)                       # [B, I, NSUB]
    # einsum '...io,...o->...i'
    scores = jnp.einsum('bio,bo->bi', sub_vals, w)                # [B, I]
    return scores

if __name__ == "__main__":
    import jax
    _d = setup_inputs()
    print(jax.jit(kernel)(*tuple(_d.values())))

</pallas_src>

<mosaic_0001>
#map = affine_map<(d0, d1) -> (0, 0, 0)>
#map1 = affine_map<(d0, d1) -> (0)>
module attributes {stable_mosaic.version = 14 : i64} {
  func.func @_sc_gather_body(%arg0: i32, %arg1: i32, %arg2: memref<32x16x128xi32, #tpu.memory_space<hbm>>, %arg3: memref<200000xf32, #tpu.memory_space<hbm>>, %arg4: memref<32x16x128xf32, #tpu.memory_space<hbm>>, %arg5: memref<200000xf32, #tpu.memory_space<vmem_shared>>, %arg6: memref<16x128xi32, #tpu.memory_space<vmem>>, %arg7: memref<16x128xf32, #tpu.memory_space<vmem>>, %arg8: memref<!tpu.dma_semaphore, #tpu.memory_space<semaphore_mem>>) attributes {dimension_semantics = [#tpu.dimension_semantics<core_parallel>, #tpu.dimension_semantics<subcore_parallel>], iteration_bounds = array<i64: 2, 16>, scalar_prefetch = 0 : i64, scratch_operands = 4 : i64, tpu.core_type = #tpu.core_type<sc_vector_subcore>, window_params = [{transform_indices = #map}, {transform_indices = #map1}, {transform_indices = #map}]} {
    %mul3A = arith.constant 2 : i32
    %mul3A_0 = arith.muli %arg1, %mul3A : i32
    %add3A = arith.addi %mul3A_0, %arg0 : i32
    %eq3A = arith.constant 0 : i32
    %eq3A_1 = arith.cmpi eq, %arg1, %eq3A : i32
    %convert_element_type3A = arith.extui %eq3A_1 : i1 to i32
    %cond3A = arith.constant 0 : i32
    %cond3A_2 = arith.cmpi ne, %convert_element_type3A, %cond3A : i32
    scf.if %cond3A_2 {
      "tpu.region"() ({
        %run_scoped3A = tpu.sem_alloc : memref<!tpu.dma_semaphore, #tpu.memory_space<semaphore_mem>>
        tpu.enqueue_dma source(%arg3 : memref<200000xf32, #tpu.memory_space<hbm>>) target(%arg5 : memref<200000xf32, #tpu.memory_space<vmem_shared>>) target_semaphore(%run_scoped3A : memref<!tpu.dma_semaphore, #tpu.memory_space<semaphore_mem>>)
        tpu.wait_dma2 semaphore(%run_scoped3A : memref<!tpu.dma_semaphore, #tpu.memory_space<semaphore_mem>>) src(%arg3 : memref<200000xf32, #tpu.memory_space<hbm>>) dst(%arg5 : memref<200000xf32, #tpu.memory_space<vmem_shared>>)
        tpu.yield
      }) : () -> ()
    } else {
    }
    "tpu.region"() ({
      %run_scoped3A = tpu.sem_alloc : memref<!tpu.dma_semaphore, #tpu.memory_space<semaphore_mem>>
      %dma_start3A_321 = arith.constant 0 : i32
      %dma_start3A_322 = arith.constant 0 : i32
      %dma_start3A_323 = tpu.memref_slice %arg2[%add3A, %dma_start3A_321, %dma_start3A_322] : memref<32x16x128xi32, #tpu.memory_space<hbm>> -> memref<1x16x128xi32, #tpu.memory_space<hbm>>
      %dma_start3A_324 = tpu.memref_squeeze %dma_start3A_323 : memref<1x16x128xi32, #tpu.memory_space<hbm>> -> memref<16x128xi32, #tpu.memory_space<hbm>>
      %dma_start3A_325 = arith.constant 0 : i32
      %dma_start3A_326 = arith.constant 0 : i32
      %dma_start3A_327 = tpu.memref_slice %arg2[%add3A, %dma_start3A_325, %dma_start3A_326] : memref<32x16x128xi32, #tpu.memory_space<hbm>> -> memref<1x16x128xi32, #tpu.memory_space<hbm>>
      %dma_start3A_328 = tpu.memref_squeeze %dma_start3A_327 : memref<1x16x128xi32, #tpu.memory_space<hbm>> -> memref<16x128xi32, #tpu.memory_space<hbm>>
      tpu.enqueue_dma source(%dma_start3A_328 : memref<16x128xi32, #tpu.memory_space<hbm>>) target(%arg6 : memref<16x128xi32, #tpu.memory_space<vmem>>) target_semaphore(%run_scoped3A : memref<!tpu.dma_semaphore, #tpu.memory_space<semaphore_mem>>)
      %dma_wait3A_329 = arith.constant 0 : i32
      %dma_wait3A_330 = arith.constant 0 : i32
      %dma_wait3A_331 = tpu.memref_slice %arg2[%add3A, %dma_wait3A_329, %dma_wait3A_330] : memref<32x16x128xi32, #tpu.memory_space<hbm>> -> memref<1x16x128xi32, #tpu.memory_space<hbm>>
      %dma_wait3A_332 = tpu.memref_squeeze %dma_wait3A_331 : memref<1x16x128xi32, #tpu.memory_space<hbm>> -> memref<16x128xi32, #tpu.memory_space<hbm>>
      %dma_wait3A_333 = arith.constant 0 : i32
      %dma_wait3A_334 = arith.constant 0 : i32
      %dma_wait3A_335 = tpu.memref_slice %arg2[%add3A, %dma_wait3A_333, %dma_wait3A_334] : memref<32x16x128xi32, #tpu.memory_space<hbm>> -> memref<1x16x128xi32, #tpu.memory_space<hbm>>
      %dma_wait3A_336 = tpu.memref_squeeze %dma_wait3A_335 : memref<1x16x128xi32, #tpu.memory_space<hbm>> -> memref<16x128xi32, #tpu.memory_space<hbm>>
      tpu.wait_dma2 semaphore(%run_scoped3A : memref<!tpu.dma_semaphore, #tpu.memory_space<semaphore_mem>>) src(%dma_wait3A_336 : memref<16x128xi32, #tpu.memory_space<hbm>>) dst(%arg6 : memref<16x128xi32, #tpu.memory_space<vmem>>)
      tpu.yield
    }) : () -> ()
    %barrier3A = arith.constant 0 : index
    tpu.barrier barrier_id(%barrier3A)
    %dma_start3A = arith.constant 0 : i32
    %dma_start3A_3 = arith.constant 0 : i32
    %dma_start3A_4 = arith.constant 0 : i32
    %dma_start3A_5 = tpu.memref_slice %arg7[%dma_start3A_3, %dma_start3A_4] : memref<16x128xf32, #tpu.memory_space<vmem>> -> memref<1x128xf32, #tpu.memory_space<vmem>>
    %dma_start3A_6 = tpu.memref_squeeze %dma_start3A_5 : memref<1x128xf32, #tpu.memory_space<vmem>> -> memref<128xf32, #tpu.memory_space<vmem>>
    %dma_start3A_7 = arith.constant 0 : i32
    %dma_start3A_8 = tpu.memref_slice %arg6[%dma_start3A, %dma_start3A_7] : memref<16x128xi32, #tpu.memory_space<vmem>> -> memref<1x128xi32, #tpu.memory_space<vmem>>
    %dma_start3A_9 = tpu.memref_squeeze %dma_start3A_8 : memref<1x128xi32, #tpu.memory_space<vmem>> -> memref<128xi32, #tpu.memory_space<vmem>>
    %dma_start3A_10 = arith.constant 0 : i32
    %dma_start3A_11 = tpu.memref_slice %arg5[%dma_start3A_10] : memref<200000xf32, #tpu.memory_space<vmem_shared>> -> memref<200000xf32, #tpu.memory_space<vmem_shared>>
    tpu.enqueue_indirect_dma source(%dma_start3A_11 : memref<200000xf32, #tpu.memory_space<vmem_shared>>) target(%dma_start3A_6 : memref<128xf32, #tpu.memory_space<vmem>>) offsets(%dma_start3A_9 : memref<128xi32, #tpu.memory_space<vmem>>) semaphore(%arg8 : memref<!tpu.dma_semaphore, #tpu.memory_space<semaphore_mem>>)
    %dma_start3A_12 = arith.constant 1 : i32
    %dma_start3A_13 = arith.constant 1 : i32
    %dma_start3A_14 = arith.constant 0 : i32
    %dma_start3A_15 = tpu.memref_slice %arg7[%dma_start3A_13, %dma_start3A_14] : memref<16x128xf32, #tpu.memory_space<vmem>> -> memref<1x128xf32, #tpu.memory_space<vmem>>
    %dma_start3A_16 = tpu.memref_squeeze %dma_start3A_15 : memref<1x128xf32, #tpu.memory_space<vmem>> -> memref<128xf32, #tpu.memory_space<vmem>>
    %dma_start3A_17 = arith.constant 0 : i32
    %dma_start3A_18 = tpu.memref_slice %arg6[%dma_start3A_12, %dma_start3A_17] : memref<16x128xi32, #tpu.memory_space<vmem>> -> memref<1x128xi32, #tpu.memory_space<vmem>>
    %dma_start3A_19 = tpu.memref_squeeze %dma_start3A_18 : memref<1x128xi32, #tpu.memory_space<vmem>> -> memref<128xi32, #tpu.memory_space<vmem>>
    %dma_start3A_20 = arith.constant 0 : i32
    %dma_start3A_21 = tpu.memref_slice %arg5[%dma_start3A_20] : memref<200000xf32, #tpu.memory_space<vmem_shared>> -> memref<200000xf32, #tpu.memory_space<vmem_shared>>
    tpu.enqueue_indirect_dma source(%dma_start3A_21 : memref<200000xf32, #tpu.memory_space<vmem_shared>>) target(%dma_start3A_16 : memref<128xf32, #tpu.memory_space<vmem>>) offsets(%dma_start3A_19 : memref<128xi32, #tpu.memory_space<vmem>>) semaphore(%arg8 : memref<!tpu.dma_semaphore, #tpu.memory_space<semaphore_mem>>)
    %dma_start3A_22 = arith.constant 2 : i32
    %dma_start3A_23 = arith.constant 2 : i32
    %dma_start3A_24 = arith.constant 0 : i32
    %dma_start3A_25 = tpu.memref_slice %arg7[%dma_start3A_23, %dma_start3A_24] : memref<16x128xf32, #tpu.memory_space<vmem>> -> memref<1x128xf32, #tpu.memory_space<vmem>>
    %dma_start3A_26 = tpu.memref_squeeze %dma_start3A_25 : memref<1x128xf32, #tpu.memory_space<vmem>> -> memref<128xf32, #tpu.memory_space<vmem>>
    %dma_start3A_27 = arith.constant 0 : i32
    %dma_start3A_28 = tpu.memref_slice %arg6[%dma_start3A_22, %dma_start3A_27] : memref<16x128xi32, #tpu.memory_space<vmem>> -> memref<1x128xi32, #tpu.memory_space<vmem>>
    %dma_start3A_29 = tpu.memref_squeeze %dma_start3A_28 : memref<1x128xi32, #tpu.memory_space<vmem>> -> memref<128xi32, #tpu.memory_space<vmem>>
    %dma_start3A_30 = arith.constant 0 : i32
    %dma_start3A_31 = tpu.memref_slice %arg5[%dma_start3A_30] : memref<200000xf32, #tpu.memory_space<vmem_shared>> -> memref<200000xf32, #tpu.memory_space<vmem_shared>>
    tpu.enqueue_indirect_dma source(%dma_start3A_31 : memref<200000xf32, #tpu.memory_space<vmem_shared>>) target(%dma_start3A_26 : memref<128xf32, #tpu.memory_space<vmem>>) offsets(%dma_start3A_29 : memref<128xi32, #tpu.memory_space<vmem>>) semaphore(%arg8 : memref<!tpu.dma_semaphore, #tpu.memory_space<semaphore_mem>>)
    %dma_start3A_32 = arith.constant 3 : i32
    %dma_start3A_33 = arith.constant 3 : i32
    %dma_start3A_34 = arith.constant 0 : i32
    %dma_start3A_35 = tpu.memref_slice %arg7[%dma_start3A_33, %dma_start3A_34] : memref<16x128xf32, #tpu.memory_space<vmem>> -> memref<1x128xf32, #tpu.memory_space<vmem>>
    %dma_start3A_36 = tpu.memref_squeeze %dma_start3A_35 : memref<1x128xf32, #tpu.memory_space<vmem>> -> memref<128xf32, #tpu.memory_space<vmem>>
    %dma_start3A_37 = arith.constant 0 : i32
    %dma_start3A_38 = tpu.memref_slice %arg6[%dma_start3A_32, %dma_start3A_37] : memref<16x128xi32, #tpu.memory_space<vmem>> -> memref<1x128xi32, #tpu.memory_space<vmem>>
    %dma_start3A_39 = tpu.memref_squeeze %dma_start3A_38 : memref<1x128xi32, #tpu.memory_space<vmem>> -> memref<128xi32, #tpu.memory_space<vmem>>
    %dma_start3A_40 = arith.constant 0 : i32
    %dma_start3A_41 = tpu.memref_slice %arg5[%dma_start3A_40] : memref<200000xf32, #tpu.memory_space<vmem_shared>> -> memref<200000xf32, #tpu.memory_space<vmem_shared>>
    tpu.enqueue_indirect_dma source(%dma_start3A_41 : memref<200000xf32, #tpu.memory_space<vmem_shared>>) target(%dma_start3A_36 : memref<128xf32, #tpu.memory_space<vmem>>) offsets(%dma_start3A_39 : memref<128xi32, #tpu.memory_space<vmem>>) semaphore(%arg8 : memref<!tpu.dma_semaphore, #tpu.memory_space<semaphore_mem>>)
    %dma_start3A_42 = arith.constant 4 : i32
    %dma_start3A_43 = arith.constant 4 : i32
    %dma_start3A_44 = arith.constant 0 : i32
    %dma_start3A_45 = tpu.memref_slice %arg7[%dma_start3A_43, %dma_start3A_44] : memref<16x128xf32, #tpu.memory_space<vmem>> -> memref<1x128xf32, #tpu.memory_space<vmem>>
    %dma_start3A_46 = tpu.memref_squeeze %dma_start3A_45 : memref<1x128xf32, #tpu.memory_space<vmem>> -> memref<128xf32, #tpu.memory_space<vmem>>
    %dma_start3A_47 = arith.constant 0 : i32
    %dma_start3A_48 = tpu.memref_slice %arg6[%dma_start3A_42, %dma_start3A_47] : memref<16x128xi32, #tpu.memory_space<vmem>> -> memref<1x128xi32, #tpu.memory_space<vmem>>
    %dma_start3A_49 = tpu.memref_squeeze %dma_start3A_48 : memref<1x128xi32, #tpu.memory_space<vmem>> -> memref<128xi32, #tpu.memory_space<vmem>>
    %dma_start3A_50 = arith.constant 0 : i32
    %dma_start3A_51 = tpu.memref_slice %arg5[%dma_start3A_50] : memref<200000xf32, #tpu.memory_space<vmem_shared>> -> memref<200000xf32, #tpu.memory_space<vmem_shared>>
    tpu.enqueue_indirect_dma source(%dma_start3A_51 : memref<200000xf32, #tpu.memory_space<vmem_shared>>) target(%dma_start3A_46 : memref<128xf32, #tpu.memory_space<vmem>>) offsets(%dma_start3A_49 : memref<128xi32, #tpu.memory_space<vmem>>) semaphore(%arg8 : memref<!tpu.dma_semaphore, #tpu.memory_space<semaphore_mem>>)
    %dma_start3A_52 = arith.constant 5 : i32
    %dma_start3A_53 = arith.constant 5 : i32
    %dma_start3A_54 = arith.constant 0 : i32
    %dma_start3A_55 = tpu.memref_slice %arg7[%dma_start3A_53, %dma_start3A_54] : memref<16x128xf32, #tpu.memory_space<vmem>> -> memref<1x128xf32, #tpu.memory_space<vmem>>
    %dma_start3A_56 = tpu.memref_squeeze %dma_start3A_55 : memref<1x128xf32, #tpu.memory_space<vmem>> -> memref<128xf32, #tpu.memory_space<vmem>>
    %dma_start3A_57 = arith.constant 0 : i32
    %dma_start3A_58 = tpu.memref_slice %arg6[%dma_start3A_52, %dma_start3A_57] : memref<16x128xi32, #tpu.memory_space<vmem>> -> memref<1x128xi32, #tpu.memory_space<vmem>>
    %dma_start3A_59 = tpu.memref_squeeze %dma_start3A_58 : memref<1x128xi32, #tpu.memory_space<vmem>> -> memref<128xi32, #tpu.memory_space<vmem>>
    %dma_start3A_60 = arith.constant 0 : i32
    %dma_start3A_61 = tpu.memref_slice %arg5[%dma_start3A_60] : memref<200000xf32, #tpu.memory_space<vmem_shared>> -> memref<200000xf32, #tpu.memory_space<vmem_shared>>
    tpu.enqueue_indirect_dma source(%dma_start3A_61 : memref<200000xf32, #tpu.memory_space<vmem_shared>>) target(%dma_start3A_56 : memref<128xf32, #tpu.memory_space<vmem>>) offsets(%dma_start3A_59 : memref<128xi32, #tpu.memory_space<vmem>>) semaphore(%arg8 : memref<!tpu.dma_semaphore, #tpu.memory_space<semaphore_mem>>)
    %dma_start3A_62 = arith.constant 6 : i32
    %dma_start3A_63 = arith.constant 6 : i32
    %dma_start3A_64 = arith.constant 0 : i32
    %dma_start3A_65 = tpu.memref_slice %arg7[%dma_start3A_63, %dma_start3A_64] : memref<16x128xf32, #tpu.memory_space<vmem>> -> memref<1x128xf32, #tpu.memory_space<vmem>>
    %dma_start3A_66 = tpu.memref_squeeze %dma_start3A_65 : memref<1x128xf32, #tpu.memory_space<vmem>> -> memref<128xf32, #tpu.memory_space<vmem>>
    %dma_start3A_67 = arith.constant 0 : i32
    %dma_start3A_68 = tpu.memref_slice %arg6[%dma_start3A_62, %dma_start3A_67] : memref<16x128xi32, #tpu.memory_space<vmem>> -> memref<1x128xi32, #tpu.memory_space<vmem>>
    %dma_start3A_69 = tpu.memref_squeeze %dma_start3A_68 : memref<1x128xi32, #tpu.memory_space<vmem>> -> memref<128xi32, #tpu.memory_space<vmem>>
    %dma_start3A_70 = arith.constant 0 : i32
    %dma_start3A_71 = tpu.memref_slice %arg5[%dma_start3A_70] : memref<200000xf32, #tpu.memory_space<vmem_shared>> -> memref<200000xf32, #tpu.memory_space<vmem_shared>>
    tpu.enqueue_indirect_dma source(%dma_start3A_71 : memref<200000xf32, #tpu.memory_space<vmem_shared>>) target(%dma_start3A_66 : memref<128xf32, #tpu.memory_space<vmem>>) offsets(%dma_start3A_69 : memref<128xi32, #tpu.memory_space<vmem>>) semaphore(%arg8 : memref<!tpu.dma_semaphore, #tpu.memory_space<semaphore_mem>>)
    %dma_start3A_72 = arith.constant 7 : i32
    %dma_start3A_73 = arith.constant 7 : i32
    %dma_start3A_74 = arith.constant 0 : i32
    %dma_start3A_75 = tpu.memref_slice %arg7[%dma_start3A_73, %dma_start3A_74] : memref<16x128xf32, #tpu.memory_space<vmem>> -> memref<1x128xf32, #tpu.memory_space<vmem>>
    %dma_start3A_76 = tpu.memref_squeeze %dma_start3A_75 : memref<1x128xf32, #tpu.memory_space<vmem>> -> memref<128xf32, #tpu.memory_space<vmem>>
    %dma_start3A_77 = arith.constant 0 : i32
    %dma_start3A_78 = tpu.memref_slice %arg6[%dma_start3A_72, %dma_start3A_77] : memref<16x128xi32, #tpu.memory_space<vmem>> -> memref<1x128xi32, #tpu.memory_space<vmem>>
    %dma_start3A_79 = tpu.memref_squeeze %dma_start3A_78 : memref<1x128xi32, #tpu.memory_space<vmem>> -> memref<128xi32, #tpu.memory_space<vmem>>
    %dma_start3A_80 = arith.constant 0 : i32
    %dma_start3A_81 = tpu.memref_slice %arg5[%dma_start3A_80] : memref<200000xf32, #tpu.memory_space<vmem_shared>> -> memref<200000xf32, #tpu.memory_space<vmem_shared>>
    tpu.enqueue_indirect_dma source(%dma_start3A_81 : memref<200000xf32, #tpu.memory_space<vmem_shared>>) target(%dma_start3A_76 : memref<128xf32, #tpu.memory_space<vmem>>) offsets(%dma_start3A_79 : memref<128xi32, #tpu.memory_space<vmem>>) semaphore(%arg8 : memref<!tpu.dma_semaphore, #tpu.memory_space<semaphore_mem>>)
    %dma_start3A_82 = arith.constant 8 : i32
    %dma_start3A_83 = arith.constant 8 : i32
    %dma_start3A_84 = arith.constant 0 : i32
    %dma_start3A_85 = tpu.memref_slice %arg7[%dma_start3A_83, %dma_start3A_84] : memref<16x128xf32, #tpu.memory_space<vmem>> -> memref<1x128xf32, #tpu.memory_space<vmem>>
    %dma_start3A_86 = tpu.memref_squeeze %dma_start3A_85 : memref<1x128xf32, #tpu.memory_space<vmem>> -> memref<128xf32, #tpu.memory_space<vmem>>
    %dma_start3A_87 = arith.constant 0 : i32
    %dma_start3A_88 = tpu.memref_slice %arg6[%dma_start3A_82, %dma_start3A_87] : memref<16x128xi32, #tpu.memory_space<vmem>> -> memref<1x128xi32, #tpu.memory_space<vmem>>
    %dma_start3A_89 = tpu.memref_squeeze %dma_start3A_88 : memref<1x128xi32, #tpu.memory_space<vmem>> -> memref<128xi32, #tpu.memory_space<vmem>>
    %dma_start3A_90 = arith.constant 0 : i32
    %dma_start3A_91 = tpu.memref_slice %arg5[%dma_start3A_90] : memref<200000xf32, #tpu.memory_space<vmem_shared>> -> memref<200000xf32, #tpu.memory_space<vmem_shared>>
    tpu.enqueue_indirect_dma source(%dma_start3A_91 : memref<200000xf32, #tpu.memory_space<vmem_shared>>) target(%dma_start3A_86 : memref<128xf32, #tpu.memory_space<vmem>>) offsets(%dma_start3A_89 : memref<128xi32, #tpu.memory_space<vmem>>) semaphore(%arg8 : memref<!tpu.dma_semaphore, #tpu.memory_space<semaphore_mem>>)
    %dma_start3A_92 = arith.constant 9 : i32
    %dma_start3A_93 = arith.constant 9 : i32
    %dma_start3A_94 = arith.constant 0 : i32
    %dma_start3A_95 = tpu.memref_slice %arg7[%dma_start3A_93, %dma_start3A_94] : memref<16x128xf32, #tpu.memory_space<vmem>> -> memref<1x128xf32, #tpu.memory_space<vmem>>
    %dma_start3A_96 = tpu.memref_squeeze %dma_start3A_95 : memref<1x128xf32, #tpu.memory_space<vmem>> -> memref<128xf32, #tpu.memory_space<vmem>>
    %dma_start3A_97 = arith.constant 0 : i32
    %dma_start3A_98 = tpu.memref_slice %arg6[%dma_start3A_92, %dma_start3A_97] : memref<16x128xi32, #tpu.memory_space<vmem>> -> memref<1x128xi32, #tpu.memory_space<vmem>>
    %dma_start3A_99 = tpu.memref_squeeze %dma_start3A_98 : memref<1x128xi32, #tpu.memory_space<vmem>> -> memref<128xi32, #tpu.memory_space<vmem>>
    %dma_start3A_100 = arith.constant 0 : i32
    %dma_start3A_101 = tpu.memref_slice %arg5[%dma_start3A_100] : memref<200000xf32, #tpu.memory_space<vmem_shared>> -> memref<200000xf32, #tpu.memory_space<vmem_shared>>
    tpu.enqueue_indirect_dma source(%dma_start3A_101 : memref<200000xf32, #tpu.memory_space<vmem_shared>>) target(%dma_start3A_96 : memref<128xf32, #tpu.memory_space<vmem>>) offsets(%dma_start3A_99 : memref<128xi32, #tpu.memory_space<vmem>>) semaphore(%arg8 : memref<!tpu.dma_semaphore, #tpu.memory_space<semaphore_mem>>)
    %dma_start3A_102 = arith.constant 10 : i32
    %dma_start3A_103 = arith.constant 10 : i32
    %dma_start3A_104 = arith.constant 0 : i32
    %dma_start3A_105 = tpu.memref_slice %arg7[%dma_start3A_103, %dma_start3A_104] : memref<16x128xf32, #tpu.memory_space<vmem>> -> memref<1x128xf32, #tpu.memory_space<vmem>>
    %dma_start3A_106 = tpu.memref_squeeze %dma_start3A_105 : memref<1x128xf32, #tpu.memory_space<vmem>> -> memref<128xf32, #tpu.memory_space<vmem>>
    %dma_start3A_107 = arith.constant 0 : i32
    %dma_start3A_108 = tpu.memref_slice %arg6[%dma_start3A_102, %dma_start3A_107] : memref<16x128xi32, #tpu.memory_space<vmem>> -> memref<1x128xi32, #tpu.memory_space<vmem>>
    %dma_start3A_109 = tpu.memref_squeeze %dma_start3A_108 : memref<1x128xi32, #tpu.memory_space<vmem>> -> memref<128xi32, #tpu.memory_space<vmem>>
    %dma_start3A_110 = arith.constant 0 : i32
    %dma_start3A_111 = tpu.memref_slice %arg5[%dma_start3A_110] : memref<200000xf32, #tpu.memory_space<vmem_shared>> -> memref<200000xf32, #tpu.memory_space<vmem_shared>>
    tpu.enqueue_indirect_dma source(%dma_start3A_111 : memref<200000xf32, #tpu.memory_space<vmem_shared>>) target(%dma_start3A_106 : memref<128xf32, #tpu.memory_space<vmem>>) offsets(%dma_start3A_109 : memref<128xi32, #tpu.memory_space<vmem>>) semaphore(%arg8 : memref<!tpu.dma_semaphore, #tpu.memory_space<semaphore_mem>>)
    %dma_start3A_112 = arith.constant 11 : i32
    %dma_start3A_113 = arith.constant 11 : i32
    %dma_start3A_114 = arith.constant 0 : i32
    %dma_start3A_115 = tpu.memref_slice %arg7[%dma_start3A_113, %dma_start3A_114] : memref<16x128xf32, #tpu.memory_space<vmem>> -> memref<1x128xf32, #tpu.memory_space<vmem>>
    %dma_start3A_116 = tpu.memref_squeeze %dma_start3A_115 : memref<1x128xf32, #tpu.memory_space<vmem>> -> memref<128xf32, #tpu.memory_space<vmem>>
    %dma_start3A_117 = arith.constant 0 : i32
    %dma_start3A_118 = tpu.memref_slice %arg6[%dma_start3A_112, %dma_start3A_117] : memref<16x128xi32, #tpu.memory_space<vmem>> -> memref<1x128xi32, #tpu.memory_space<vmem>>
    %dma_start3A_119 = tpu.memref_squeeze %dma_start3A_118 : memref<1x128xi32, #tpu.memory_space<vmem>> -> memref<128xi32, #tpu.memory_space<vmem>>
    %dma_start3A_120 = arith.constant 0 : i32
    %dma_start3A_121 = tpu.memref_slice %arg5[%dma_start3A_120] : memref<200000xf32, #tpu.memory_space<vmem_shared>> -> memref<200000xf32, #tpu.memory_space<vmem_shared>>
    tpu.enqueue_indirect_dma source(%dma_start3A_121 : memref<200000xf32, #tpu.memory_space<vmem_shared>>) target(%dma_start3A_116 : memref<128xf32, #tpu.memory_space<vmem>>) offsets(%dma_start3A_119 : memref<128xi32, #tpu.memory_space<vmem>>) semaphore(%arg8 : memref<!tpu.dma_semaphore, #tpu.memory_space<semaphore_mem>>)
    %dma_start3A_122 = arith.constant 12 : i32
    %dma_start3A_123 = arith.constant 12 : i32
    %dma_start3A_124 = arith.constant 0 : i32
    %dma_start3A_125 = tpu.memref_slice %arg7[%dma_start3A_123, %dma_start3A_124] : memref<16x128xf32, #tpu.memory_space<vmem>> -> memref<1x128xf32, #tpu.memory_space<vmem>>
    %dma_start3A_126 = tpu.memref_squeeze %dma_start3A_125 : memref<1x128xf32, #tpu.memory_space<vmem>> -> memref<128xf32, #tpu.memory_space<vmem>>
    %dma_start3A_127 = arith.constant 0 : i32
    %dma_start3A_128 = tpu.memref_slice %arg6[%dma_start3A_122, %dma_start3A_127] : memref<16x128xi32, #tpu.memory_space<vmem>> -> memref<1x128xi32, #tpu.memory_space<vmem>>
    %dma_start3A_129 = tpu.memref_squeeze %dma_start3A_128 : memref<1x128xi32, #tpu.memory_space<vmem>> -> memref<128xi32, #tpu.memory_space<vmem>>
    %dma_start3A_130 = arith.constant 0 : i32
    %dma_start3A_131 = tpu.memref_slice %arg5[%dma_start3A_130] : memref<200000xf32, #tpu.memory_space<vmem_shared>> -> memref<200000xf32, #tpu.memory_space<vmem_shared>>
    tpu.enqueue_indirect_dma source(%dma_start3A_131 : memref<200000xf32, #tpu.memory_space<vmem_shared>>) target(%dma_start3A_126 : memref<128xf32, #tpu.memory_space<vmem>>) offsets(%dma_start3A_129 : memref<128xi32, #tpu.memory_space<vmem>>) semaphore(%arg8 : memref<!tpu.dma_semaphore, #tpu.memory_space<semaphore_mem>>)
    %dma_start3A_132 = arith.constant 13 : i32
    %dma_start3A_133 = arith.constant 13 : i32
    %dma_start3A_134 = arith.constant 0 : i32
    %dma_start3A_135 = tpu.memref_slice %arg7[%dma_start3A_133, %dma_start3A_134] : memref<16x128xf32, #tpu.memory_space<vmem>> -> memref<1x128xf32, #tpu.memory_space<vmem>>
    %dma_start3A_136 = tpu.memref_squeeze %dma_start3A_135 : memref<1x128xf32, #tpu.memory_space<vmem>> -> memref<128xf32, #tpu.memory_space<vmem>>
    %dma_start3A_137 = arith.constant 0 : i32
    %dma_start3A_138 = tpu.memref_slice %arg6[%dma_start3A_132, %dma_start3A_137] : memref<16x128xi32, #tpu.memory_space<vmem>> -> memref<1x128xi32, #tpu.memory_space<vmem>>
    %dma_start3A_139 = tpu.memref_squeeze %dma_start3A_138 : memref<1x128xi32, #tpu.memory_space<vmem>> -> memref<128xi32, #tpu.memory_space<vmem>>
    %dma_start3A_140 = arith.constant 0 : i32
    %dma_start3A_141 = tpu.memref_slice %arg5[%dma_start3A_140] : memref<200000xf32, #tpu.memory_space<vmem_shared>> -> memref<200000xf32, #tpu.memory_space<vmem_shared>>
    tpu.enqueue_indirect_dma source(%dma_start3A_141 : memref<200000xf32, #tpu.memory_space<vmem_shared>>) target(%dma_start3A_136 : memref<128xf32, #tpu.memory_space<vmem>>) offsets(%dma_start3A_139 : memref<128xi32, #tpu.memory_space<vmem>>) semaphore(%arg8 : memref<!tpu.dma_semaphore, #tpu.memory_space<semaphore_mem>>)
    %dma_start3A_142 = arith.constant 14 : i32
    %dma_start3A_143 = arith.constant 14 : i32
    %dma_start3A_144 = arith.constant 0 : i32
    %dma_start3A_145 = tpu.memref_slice %arg7[%dma_start3A_143, %dma_start3A_144] : memref<16x128xf32, #tpu.memory_space<vmem>> -> memref<1x128xf32, #tpu.memory_space<vmem>>
    %dma_start3A_146 = tpu.memref_squeeze %dma_start3A_145 : memref<1x128xf32, #tpu.memory_space<vmem>> -> memref<128xf32, #tpu.memory_space<vmem>>
    %dma_start3A_147 = arith.constant 0 : i32
    %dma_start3A_148 = tpu.memref_slice %arg6[%dma_start3A_142, %dma_start3A_147] : memref<16x128xi32, #tpu.memory_space<vmem>> -> memref<1x128xi32, #tpu.memory_space<vmem>>
    %dma_start3A_149 = tpu.memref_squeeze %dma_start3A_148 : memref<1x128xi32, #tpu.memory_space<vmem>> -> memref<128xi32, #tpu.memory_space<vmem>>
    %dma_start3A_150 = arith.constant 0 : i32
    %dma_start3A_151 = tpu.memref_slice %arg5[%dma_start3A_150] : memref<200000xf32, #tpu.memory_space<vmem_shared>> -> memref<200000xf32, #tpu.memory_space<vmem_shared>>
    tpu.enqueue_indirect_dma source(%dma_start3A_151 : memref<200000xf32, #tpu.memory_space<vmem_shared>>) target(%dma_start3A_146 : memref<128xf32, #tpu.memory_space<vmem>>) offsets(%dma_start3A_149 : memref<128xi32, #tpu.memory_space<vmem>>) semaphore(%arg8 : memref<!tpu.dma_semaphore, #tpu.memory_space<semaphore_mem>>)
    %dma_start3A_152 = arith.constant 15 : i32
    %dma_start3A_153 = arith.constant 15 : i32
    %dma_start3A_154 = arith.constant 0 : i32
    %dma_start3A_155 = tpu.memref_slice %arg7[%dma_start3A_153, %dma_start3A_154] : memref<16x128xf32, #tpu.memory_space<vmem>> -> memref<1x128xf32, #tpu.memory_space<vmem>>
    %dma_start3A_156 = tpu.memref_squeeze %dma_start3A_155 : memref<1x128xf32, #tpu.memory_space<vmem>> -> memref<128xf32, #tpu.memory_space<vmem>>
    %dma_start3A_157 = arith.constant 0 : i32
    %dma_start3A_158 = tpu.memref_slice %arg6[%dma_start3A_152, %dma_start3A_157] : memref<16x128xi32, #tpu.memory_space<vmem>> -> memref<1x128xi32, #tpu.memory_space<vmem>>
    %dma_start3A_159 = tpu.memref_squeeze %dma_start3A_158 : memref<1x128xi32, #tpu.memory_space<vmem>> -> memref<128xi32, #tpu.memory_space<vmem>>
    %dma_start3A_160 = arith.constant 0 : i32
    %dma_start3A_161 = tpu.memref_slice %arg5[%dma_start3A_160] : memref<200000xf32, #tpu.memory_space<vmem_shared>> -> memref<200000xf32, #tpu.memory_space<vmem_shared>>
    tpu.enqueue_indirect_dma source(%dma_start3A_161 : memref<200000xf32, #tpu.memory_space<vmem_shared>>) target(%dma_start3A_156 : memref<128xf32, #tpu.memory_space<vmem>>) offsets(%dma_start3A_159 : memref<128xi32, #tpu.memory_space<vmem>>) semaphore(%arg8 : memref<!tpu.dma_semaphore, #tpu.memory_space<semaphore_mem>>)
    %dma_wait3A = arith.constant 0 : i32
    %dma_wait3A_162 = arith.constant 0 : i32
    %dma_wait3A_163 = arith.constant 0 : i32
    %dma_wait3A_164 = tpu.memref_slice %arg7[%dma_wait3A_162, %dma_wait3A_163] : memref<16x128xf32, #tpu.memory_space<vmem>> -> memref<1x128xf32, #tpu.memory_space<vmem>>
    %dma_wait3A_165 = tpu.memref_squeeze %dma_wait3A_164 : memref<1x128xf32, #tpu.memory_space<vmem>> -> memref<128xf32, #tpu.memory_space<vmem>>
    %dma_wait3A_166 = arith.constant 0 : i32
    %dma_wait3A_167 = tpu.memref_slice %arg6[%dma_wait3A, %dma_wait3A_166] : memref<16x128xi32, #tpu.memory_space<vmem>> -> memref<1x128xi32, #tpu.memory_space<vmem>>
    %dma_wait3A_168 = tpu.memref_squeeze %dma_wait3A_167 : memref<1x128xi32, #tpu.memory_space<vmem>> -> memref<128xi32, #tpu.memory_space<vmem>>
    %dma_wait3A_169 = arith.constant 0 : i32
    %dma_wait3A_170 = tpu.memref_slice %arg5[%dma_wait3A_169] : memref<200000xf32, #tpu.memory_space<vmem_shared>> -> memref<200000xf32, #tpu.memory_space<vmem_shared>>
    tpu.wait_indirect_dma semaphore(%arg8 : memref<!tpu.dma_semaphore, #tpu.memory_space<semaphore_mem>>) src(%dma_wait3A_170 : memref<200000xf32, #tpu.memory_space<vmem_shared>>) dst(%dma_wait3A_165 : memref<128xf32, #tpu.memory_space<vmem>>)
    %dma_wait3A_171 = arith.constant 1 : i32
    %dma_wait3A_172 = arith.constant 1 : i32
    %dma_wait3A_173 = arith.constant 0 : i32
    %dma_wait3A_174 = tpu.memref_slice %arg7[%dma_wait3A_172, %dma_wait3A_173] : memref<16x128xf32, #tpu.memory_space<vmem>> -> memref<1x128xf32, #tpu.memory_space<vmem>>
    %dma_wait3A_175 = tpu.memref_squeeze %dma_wait3A_174 : memref<1x128xf32, #tpu.memory_space<vmem>> -> memref<128xf32, #tpu.memory_space<vmem>>
    %dma_wait3A_176 = arith.constant 0 : i32
    %dma_wait3A_177 = tpu.memref_slice %arg6[%dma_wait3A_171, %dma_wait3A_176] : memref<16x128xi32, #tpu.memory_space<vmem>> -> memref<1x128xi32, #tpu.memory_space<vmem>>
    %dma_wait3A_178 = tpu.memref_squeeze %dma_wait3A_177 : memref<1x128xi32, #tpu.memory_space<vmem>> -> memref<128xi32, #tpu.memory_space<vmem>>
    %dma_wait3A_179 = arith.constant 0 : i32
    %dma_wait3A_180 = tpu.memref_slice %arg5[%dma_wait3A_179] : memref<200000xf32, #tpu.memory_space<vmem_shared>> -> memref<200000xf32, #tpu.memory_space<vmem_shared>>
    tpu.wait_indirect_dma semaphore(%arg8 : memref<!tpu.dma_semaphore, #tpu.memory_space<semaphore_mem>>) src(%dma_wait3A_180 : memref<200000xf32, #tpu.memory_space<vmem_shared>>) dst(%dma_wait3A_175 : memref<128xf32, #tpu.memory_space<vmem>>)
    %dma_wait3A_181 = arith.constant 2 : i32
    %dma_wait3A_182 = arith.constant 2 : i32
    %dma_wait3A_183 = arith.constant 0 : i32
    %dma_wait3A_184 = tpu.memref_slice %arg7[%dma_wait3A_182, %dma_wait3A_183] : memref<16x128xf32, #tpu.memory_space<vmem>> -> memref<1x128xf32, #tpu.memory_space<vmem>>
    %dma_wait3A_185 = tpu.memref_squeeze %dma_wait3A_184 : memref<1x128xf32, #tpu.memory_space<vmem>> -> memref<128xf32, #tpu.memory_space<vmem>>
    %dma_wait3A_186 = arith.constant 0 : i32
    %dma_wait3A_187 = tpu.memref_slice %arg6[%dma_wait3A_181, %dma_wait3A_186] : memref<16x128xi32, #tpu.memory_space<vmem>> -> memref<1x128xi32, #tpu.memory_space<vmem>>
    %dma_wait3A_188 = tpu.memref_squeeze %dma_wait3A_187 : memref<1x128xi32, #tpu.memory_space<vmem>> -> memref<128xi32, #tpu.memory_space<vmem>>
    %dma_wait3A_189 = arith.constant 0 : i32
    %dma_wait3A_190 = tpu.memref_slice %arg5[%dma_wait3A_189] : memref<200000xf32, #tpu.memory_space<vmem_shared>> -> memref<200000xf32, #tpu.memory_space<vmem_shared>>
    tpu.wait_indirect_dma semaphore(%arg8 : memref<!tpu.dma_semaphore, #tpu.memory_space<semaphore_mem>>) src(%dma_wait3A_190 : memref<200000xf32, #tpu.memory_space<vmem_shared>>) dst(%dma_wait3A_185 : memref<128xf32, #tpu.memory_space<vmem>>)
    %dma_wait3A_191 = arith.constant 3 : i32
    %dma_wait3A_192 = arith.constant 3 : i32
    %dma_wait3A_193 = arith.constant 0 : i32
    %dma_wait3A_194 = tpu.memref_slice %arg7[%dma_wait3A_192, %dma_wait3A_193] : memref<16x128xf32, #tpu.memory_space<vmem>> -> memref<1x128xf32, #tpu.memory_space<vmem>>
    %dma_wait3A_195 = tpu.memref_squeeze %dma_wait3A_194 : memref<1x128xf32, #tpu.memory_space<vmem>> -> memref<128xf32, #tpu.memory_space<vmem>>
    %dma_wait3A_196 = arith.constant 0 : i32
    %dma_wait3A_197 = tpu.memref_slice %arg6[%dma_wait3A_191, %dma_wait3A_196] : memref<16x128xi32, #tpu.memory_space<vmem>> -> memref<1x128xi32, #tpu.memory_space<vmem>>
    %dma_wait3A_198 = tpu.memref_squeeze %dma_wait3A_197 : memref<1x128xi32, #tpu.memory_space<vmem>> -> memref<128xi32, #tpu.memory_space<vmem>>
    %dma_wait3A_199 = arith.constant 0 : i32
    %dma_wait3A_200 = tpu.memref_slice %arg5[%dma_wait3A_199] : memref<200000xf32, #tpu.memory_space<vmem_shared>> -> memref<200000xf32, #tpu.memory_space<vmem_shared>>
    tpu.wait_indirect_dma semaphore(%arg8 : memref<!tpu.dma_semaphore, #tpu.memory_space<semaphore_mem>>) src(%dma_wait3A_200 : memref<200000xf32, #tpu.memory_space<vmem_shared>>) dst(%dma_wait3A_195 : memref<128xf32, #tpu.memory_space<vmem>>)
    %dma_wait3A_201 = arith.constant 4 : i32
    %dma_wait3A_202 = arith.constant 4 : i32
    %dma_wait3A_203 = arith.constant 0 : i32
    %dma_wait3A_204 = tpu.memref_slice %arg7[%dma_wait3A_202, %dma_wait3A_203] : memref<16x128xf32, #tpu.memory_space<vmem>> -> memref<1x128xf32, #tpu.memory_space<vmem>>
    %dma_wait3A_205 = tpu.memref_squeeze %dma_wait3A_204 : memref<1x128xf32, #tpu.memory_space<vmem>> -> memref<128xf32, #tpu.memory_space<vmem>>
    %dma_wait3A_206 = arith.constant 0 : i32
    %dma_wait3A_207 = tpu.memref_slice %arg6[%dma_wait3A_201, %dma_wait3A_206] : memref<16x128xi32, #tpu.memory_space<vmem>> -> memref<1x128xi32, #tpu.memory_space<vmem>>
    %dma_wait3A_208 = tpu.memref_squeeze %dma_wait3A_207 : memref<1x128xi32, #tpu.memory_space<vmem>> -> memref<128xi32, #tpu.memory_space<vmem>>
    %dma_wait3A_209 = arith.constant 0 : i32
    %dma_wait3A_210 = tpu.memref_slice %arg5[%dma_wait3A_209] : memref<200000xf32, #tpu.memory_space<vmem_shared>> -> memref<200000xf32, #tpu.memory_space<vmem_shared>>
    tpu.wait_indirect_dma semaphore(%arg8 : memref<!tpu.dma_semaphore, #tpu.memory_space<semaphore_mem>>) src(%dma_wait3A_210 : memref<200000xf32, #tpu.memory_space<vmem_shared>>) dst(%dma_wait3A_205 : memref<128xf32, #tpu.memory_space<vmem>>)
    %dma_wait3A_211 = arith.constant 5 : i32
    %dma_wait3A_212 = arith.constant 5 : i32
    %dma_wait3A_213 = arith.constant 0 : i32
    %dma_wait3A_214 = tpu.memref_slice %arg7[%dma_wait3A_212, %dma_wait3A_213] : memref<16x128xf32, #tpu.memory_space<vmem>> -> memref<1x128xf32, #tpu.memory_space<vmem>>
    %dma_wait3A_215 = tpu.memref_squeeze %dma_wait3A_214 : memref<1x128xf32, #tpu.memory_space<vmem>> -> memref<128xf32, #tpu.memory_space<vmem>>
    %dma_wait3A_216 = arith.constant 0 : i32
    %dma_wait3A_217 = tpu.memref_slice %arg6[%dma_wait3A_211, %dma_wait3A_216] : memref<16x128xi32, #tpu.memory_space<vmem>> -> memref<1x128xi32, #tpu.memory_space<vmem>>
    %dma_wait3A_218 = tpu.memref_squeeze %dma_wait3A_217 : memref<1x128xi32, #tpu.memory_space<vmem>> -> memref<128xi32, #tpu.memory_space<vmem>>
    %dma_wait3A_219 = arith.constant 0 : i32
    %dma_wait3A_220 = tpu.memref_slice %arg5[%dma_wait3A_219] : memref<200000xf32, #tpu.memory_space<vmem_shared>> -> memref<200000xf32, #tpu.memory_space<vmem_shared>>
    tpu.wait_indirect_dma semaphore(%arg8 : memref<!tpu.dma_semaphore, #tpu.memory_space<semaphore_mem>>) src(%dma_wait3A_220 : memref<200000xf32, #tpu.memory_space<vmem_shared>>) dst(%dma_wait3A_215 : memref<128xf32, #tpu.memory_space<vmem>>)
    %dma_wait3A_221 = arith.constant 6 : i32
    %dma_wait3A_222 = arith.constant 6 : i32
    %dma_wait3A_223 = arith.constant 0 : i32
    %dma_wait3A_224 = tpu.memref_slice %arg7[%dma_wait3A_222, %dma_wait3A_223] : memref<16x128xf32, #tpu.memory_space<vmem>> -> memref<1x128xf32, #tpu.memory_space<vmem>>
    %dma_wait3A_225 = tpu.memref_squeeze %dma_wait3A_224 : memref<1x128xf32, #tpu.memory_space<vmem>> -> memref<128xf32, #tpu.memory_space<vmem>>
    %dma_wait3A_226 = arith.constant 0 : i32
    %dma_wait3A_227 = tpu.memref_slice %arg6[%dma_wait3A_221, %dma_wait3A_226] : memref<16x128xi32, #tpu.memory_space<vmem>> -> memref<1x128xi32, #tpu.memory_space<vmem>>
    %dma_wait3A_228 = tpu.memref_squeeze %dma_wait3A_227 : memref<1x128xi32, #tpu.memory_space<vmem>> -> memref<128xi32, #tpu.memory_space<vmem>>
    %dma_wait3A_229 = arith.constant 0 : i32
    %dma_wait3A_230 = tpu.memref_slice %arg5[%dma_wait3A_229] : memref<200000xf32, #tpu.memory_space<vmem_shared>> -> memref<200000xf32, #tpu.memory_space<vmem_shared>>
    tpu.wait_indirect_dma semaphore(%arg8 : memref<!tpu.dma_semaphore, #tpu.memory_space<semaphore_mem>>) src(%dma_wait3A_230 : memref<200000xf32, #tpu.memory_space<vmem_shared>>) dst(%dma_wait3A_225 : memref<128xf32, #tpu.memory_space<vmem>>)
    %dma_wait3A_231 = arith.constant 7 : i32
    %dma_wait3A_232 = arith.constant 7 : i32
    %dma_wait3A_233 = arith.constant 0 : i32
    %dma_wait3A_234 = tpu.memref_slice %arg7[%dma_wait3A_232, %dma_wait3A_233] : memref<16x128xf32, #tpu.memory_space<vmem>> -> memref<1x128xf32, #tpu.memory_space<vmem>>
    %dma_wait3A_235 = tpu.memref_squeeze %dma_wait3A_234 : memref<1x128xf32, #tpu.memory_space<vmem>> -> memref<128xf32, #tpu.memory_space<vmem>>
    %dma_wait3A_236 = arith.constant 0 : i32
    %dma_wait3A_237 = tpu.memref_slice %arg6[%dma_wait3A_231, %dma_wait3A_236] : memref<16x128xi32, #tpu.memory_space<vmem>> -> memref<1x128xi32, #tpu.memory_space<vmem>>
    %dma_wait3A_238 = tpu.memref_squeeze %dma_wait3A_237 : memref<1x128xi32, #tpu.memory_space<vmem>> -> memref<128xi32, #tpu.memory_space<vmem>>
    %dma_wait3A_239 = arith.constant 0 : i32
    %dma_wait3A_240 = tpu.memref_slice %arg5[%dma_wait3A_239] : memref<200000xf32, #tpu.memory_space<vmem_shared>> -> memref<200000xf32, #tpu.memory_space<vmem_shared>>
    tpu.wait_indirect_dma semaphore(%arg8 : memref<!tpu.dma_semaphore, #tpu.memory_space<semaphore_mem>>) src(%dma_wait3A_240 : memref<200000xf32, #tpu.memory_space<vmem_shared>>) dst(%dma_wait3A_235 : memref<128xf32, #tpu.memory_space<vmem>>)
    %dma_wait3A_241 = arith.constant 8 : i32
    %dma_wait3A_242 = arith.constant 8 : i32
    %dma_wait3A_243 = arith.constant 0 : i32
    %dma_wait3A_244 = tpu.memref_slice %arg7[%dma_wait3A_242, %dma_wait3A_243] : memref<16x128xf32, #tpu.memory_space<vmem>> -> memref<1x128xf32, #tpu.memory_space<vmem>>
    %dma_wait3A_245 = tpu.memref_squeeze %dma_wait3A_244 : memref<1x128xf32, #tpu.memory_space<vmem>> -> memref<128xf32, #tpu.memory_space<vmem>>
    %dma_wait3A_246 = arith.constant 0 : i32
    %dma_wait3A_247 = tpu.memref_slice %arg6[%dma_wait3A_241, %dma_wait3A_246] : memref<16x128xi32, #tpu.memory_space<vmem>> -> memref<1x128xi32, #tpu.memory_space<vmem>>
    %dma_wait3A_248 = tpu.memref_squeeze %dma_wait3A_247 : memref<1x128xi32, #tpu.memory_space<vmem>> -> memref<128xi32, #tpu.memory_space<vmem>>
    %dma_wait3A_249 = arith.constant 0 : i32
    %dma_wait3A_250 = tpu.memref_slice %arg5[%dma_wait3A_249] : memref<200000xf32, #tpu.memory_space<vmem_shared>> -> memref<200000xf32, #tpu.memory_space<vmem_shared>>
    tpu.wait_indirect_dma semaphore(%arg8 : memref<!tpu.dma_semaphore, #tpu.memory_space<semaphore_mem>>) src(%dma_wait3A_250 : memref<200000xf32, #tpu.memory_space<vmem_shared>>) dst(%dma_wait3A_245 : memref<128xf32, #tpu.memory_space<vmem>>)
    %dma_wait3A_251 = arith.constant 9 : i32
    %dma_wait3A_252 = arith.constant 9 : i32
    %dma_wait3A_253 = arith.constant 0 : i32
    %dma_wait3A_254 = tpu.memref_slice %arg7[%dma_wait3A_252, %dma_wait3A_253] : memref<16x128xf32, #tpu.memory_space<vmem>> -> memref<1x128xf32, #tpu.memory_space<vmem>>
    %dma_wait3A_255 = tpu.memref_squeeze %dma_wait3A_254 : memref<1x128xf32, #tpu.memory_space<vmem>> -> memref<128xf32, #tpu.memory_space<vmem>>
    %dma_wait3A_256 = arith.constant 0 : i32
    %dma_wait3A_257 = tpu.memref_slice %arg6[%dma_wait3A_251, %dma_wait3A_256] : memref<16x128xi32, #tpu.memory_space<vmem>> -> memref<1x128xi32, #tpu.memory_space<vmem>>
    %dma_wait3A_258 = tpu.memref_squeeze %dma_wait3A_257 : memref<1x128xi32, #tpu.memory_space<vmem>> -> memref<128xi32, #tpu.memory_space<vmem>>
    %dma_wait3A_259 = arith.constant 0 : i32
    %dma_wait3A_260 = tpu.memref_slice %arg5[%dma_wait3A_259] : memref<200000xf32, #tpu.memory_space<vmem_shared>> -> memref<200000xf32, #tpu.memory_space<vmem_shared>>
    tpu.wait_indirect_dma semaphore(%arg8 : memref<!tpu.dma_semaphore, #tpu.memory_space<semaphore_mem>>) src(%dma_wait3A_260 : memref<200000xf32, #tpu.memory_space<vmem_shared>>) dst(%dma_wait3A_255 : memref<128xf32, #tpu.memory_space<vmem>>)
    %dma_wait3A_261 = arith.constant 10 : i32
    %dma_wait3A_262 = arith.constant 10 : i32
    %dma_wait3A_263 = arith.constant 0 : i32
    %dma_wait3A_264 = tpu.memref_slice %arg7[%dma_wait3A_262, %dma_wait3A_263] : memref<16x128xf32, #tpu.memory_space<vmem>> -> memref<1x128xf32, #tpu.memory_space<vmem>>
    %dma_wait3A_265 = tpu.memref_squeeze %dma_wait3A_264 : memref<1x128xf32, #tpu.memory_space<vmem>> -> memref<128xf32, #tpu.memory_space<vmem>>
    %dma_wait3A_266 = arith.constant 0 : i32
    %dma_wait3A_267 = tpu.memref_slice %arg6[%dma_wait3A_261, %dma_wait3A_266] : memref<16x128xi32, #tpu.memory_space<vmem>> -> memref<1x128xi32, #tpu.memory_space<vmem>>
    %dma_wait3A_268 = tpu.memref_squeeze %dma_wait3A_267 : memref<1x128xi32, #tpu.memory_space<vmem>> -> memref<128xi32, #tpu.memory_space<vmem>>
    %dma_wait3A_269 = arith.constant 0 : i32
    %dma_wait3A_270 = tpu.memref_slice %arg5[%dma_wait3A_269] : memref<200000xf32, #tpu.memory_space<vmem_shared>> -> memref<200000xf32, #tpu.memory_space<vmem_shared>>
    tpu.wait_indirect_dma semaphore(%arg8 : memref<!tpu.dma_semaphore, #tpu.memory_space<semaphore_mem>>) src(%dma_wait3A_270 : memref<200000xf32, #tpu.memory_space<vmem_shared>>) dst(%dma_wait3A_265 : memref<128xf32, #tpu.memory_space<vmem>>)
    %dma_wait3A_271 = arith.constant 11 : i32
    %dma_wait3A_272 = arith.constant 11 : i32
    %dma_wait3A_273 = arith.constant 0 : i32
    %dma_wait3A_274 = tpu.memref_slice %arg7[%dma_wait3A_272, %dma_wait3A_273] : memref<16x128xf32, #tpu.memory_space<vmem>> -> memref<1x128xf32, #tpu.memory_space<vmem>>
    %dma_wait3A_275 = tpu.memref_squeeze %dma_wait3A_274 : memref<1x128xf32, #tpu.memory_space<vmem>> -> memref<128xf32, #tpu.memory_space<vmem>>
    %dma_wait3A_276 = arith.constant 0 : i32
    %dma_wait3A_277 = tpu.memref_slice %arg6[%dma_wait3A_271, %dma_wait3A_276] : memref<16x128xi32, #tpu.memory_space<vmem>> -> memref<1x128xi32, #tpu.memory_space<vmem>>
    %dma_wait3A_278 = tpu.memref_squeeze %dma_wait3A_277 : memref<1x128xi32, #tpu.memory_space<vmem>> -> memref<128xi32, #tpu.memory_space<vmem>>
    %dma_wait3A_279 = arith.constant 0 : i32
    %dma_wait3A_280 = tpu.memref_slice %arg5[%dma_wait3A_279] : memref<200000xf32, #tpu.memory_space<vmem_shared>> -> memref<200000xf32, #tpu.memory_space<vmem_shared>>
    tpu.wait_indirect_dma semaphore(%arg8 : memref<!tpu.dma_semaphore, #tpu.memory_space<semaphore_mem>>) src(%dma_wait3A_280 : memref<200000xf32, #tpu.memory_space<vmem_shared>>) dst(%dma_wait3A_275 : memref<128xf32, #tpu.memory_space<vmem>>)
    %dma_wait3A_281 = arith.constant 12 : i32
    %dma_wait3A_282 = arith.constant 12 : i32
    %dma_wait3A_283 = arith.constant 0 : i32
    %dma_wait3A_284 = tpu.memref_slice %arg7[%dma_wait3A_282, %dma_wait3A_283] : memref<16x128xf32, #tpu.memory_space<vmem>> -> memref<1x128xf32, #tpu.memory_space<vmem>>
    %dma_wait3A_285 = tpu.memref_squeeze %dma_wait3A_284 : memref<1x128xf32, #tpu.memory_space<vmem>> -> memref<128xf32, #tpu.memory_space<vmem>>
    %dma_wait3A_286 = arith.constant 0 : i32
    %dma_wait3A_287 = tpu.memref_slice %arg6[%dma_wait3A_281, %dma_wait3A_286] : memref<16x128xi32, #tpu.memory_space<vmem>> -> memref<1x128xi32, #tpu.memory_space<vmem>>
    %dma_wait3A_288 = tpu.memref_squeeze %dma_wait3A_287 : memref<1x128xi32, #tpu.memory_space<vmem>> -> memref<128xi32, #tpu.memory_space<vmem>>
    %dma_wait3A_289 = arith.constant 0 : i32
    %dma_wait3A_290 = tpu.memref_slice %arg5[%dma_wait3A_289] : memref<200000xf32, #tpu.memory_space<vmem_shared>> -> memref<200000xf32, #tpu.memory_space<vmem_shared>>
    tpu.wait_indirect_dma semaphore(%arg8 : memref<!tpu.dma_semaphore, #tpu.memory_space<semaphore_mem>>) src(%dma_wait3A_290 : memref<200000xf32, #tpu.memory_space<vmem_shared>>) dst(%dma_wait3A_285 : memref<128xf32, #tpu.memory_space<vmem>>)
    %dma_wait3A_291 = arith.constant 13 : i32
    %dma_wait3A_292 = arith.constant 13 : i32
    %dma_wait3A_293 = arith.constant 0 : i32
    %dma_wait3A_294 = tpu.memref_slice %arg7[%dma_wait3A_292, %dma_wait3A_293] : memref<16x128xf32, #tpu.memory_space<vmem>> -> memref<1x128xf32, #tpu.memory_space<vmem>>
    %dma_wait3A_295 = tpu.memref_squeeze %dma_wait3A_294 : memref<1x128xf32, #tpu.memory_space<vmem>> -> memref<128xf32, #tpu.memory_space<vmem>>
    %dma_wait3A_296 = arith.constant 0 : i32
    %dma_wait3A_297 = tpu.memref_slice %arg6[%dma_wait3A_291, %dma_wait3A_296] : memref<16x128xi32, #tpu.memory_space<vmem>> -> memref<1x128xi32, #tpu.memory_space<vmem>>
    %dma_wait3A_298 = tpu.memref_squeeze %dma_wait3A_297 : memref<1x128xi32, #tpu.memory_space<vmem>> -> memref<128xi32, #tpu.memory_space<vmem>>
    %dma_wait3A_299 = arith.constant 0 : i32
    %dma_wait3A_300 = tpu.memref_slice %arg5[%dma_wait3A_299] : memref<200000xf32, #tpu.memory_space<vmem_shared>> -> memref<200000xf32, #tpu.memory_space<vmem_shared>>
    tpu.wait_indirect_dma semaphore(%arg8 : memref<!tpu.dma_semaphore, #tpu.memory_space<semaphore_mem>>) src(%dma_wait3A_300 : memref<200000xf32, #tpu.memory_space<vmem_shared>>) dst(%dma_wait3A_295 : memref<128xf32, #tpu.memory_space<vmem>>)
    %dma_wait3A_301 = arith.constant 14 : i32
    %dma_wait3A_302 = arith.constant 14 : i32
    %dma_wait3A_303 = arith.constant 0 : i32
    %dma_wait3A_304 = tpu.memref_slice %arg7[%dma_wait3A_302, %dma_wait3A_303] : memref<16x128xf32, #tpu.memory_space<vmem>> -> memref<1x128xf32, #tpu.memory_space<vmem>>
    %dma_wait3A_305 = tpu.memref_squeeze %dma_wait3A_304 : memref<1x128xf32, #tpu.memory_space<vmem>> -> memref<128xf32, #tpu.memory_space<vmem>>
    %dma_wait3A_306 = arith.constant 0 : i32
    %dma_wait3A_307 = tpu.memref_slice %arg6[%dma_wait3A_301, %dma_wait3A_306] : memref<16x128xi32, #tpu.memory_space<vmem>> -> memref<1x128xi32, #tpu.memory_space<vmem>>
    %dma_wait3A_308 = tpu.memref_squeeze %dma_wait3A_307 : memref<1x128xi32, #tpu.memory_space<vmem>> -> memref<128xi32, #tpu.memory_space<vmem>>
    %dma_wait3A_309 = arith.constant 0 : i32
    %dma_wait3A_310 = tpu.memref_slice %arg5[%dma_wait3A_309] : memref<200000xf32, #tpu.memory_space<vmem_shared>> -> memref<200000xf32, #tpu.memory_space<vmem_shared>>
    tpu.wait_indirect_dma semaphore(%arg8 : memref<!tpu.dma_semaphore, #tpu.memory_space<semaphore_mem>>) src(%dma_wait3A_310 : memref<200000xf32, #tpu.memory_space<vmem_shared>>) dst(%dma_wait3A_305 : memref<128xf32, #tpu.memory_space<vmem>>)
    %dma_wait3A_311 = arith.constant 15 : i32
    %dma_wait3A_312 = arith.constant 15 : i32
    %dma_wait3A_313 = arith.constant 0 : i32
    %dma_wait3A_314 = tpu.memref_slice %arg7[%dma_wait3A_312, %dma_wait3A_313] : memref<16x128xf32, #tpu.memory_space<vmem>> -> memref<1x128xf32, #tpu.memory_space<vmem>>
    %dma_wait3A_315 = tpu.memref_squeeze %dma_wait3A_314 : memref<1x128xf32, #tpu.memory_space<vmem>> -> memref<128xf32, #tpu.memory_space<vmem>>
    %dma_wait3A_316 = arith.constant 0 : i32
    %dma_wait3A_317 = tpu.memref_slice %arg6[%dma_wait3A_311, %dma_wait3A_316] : memref<16x128xi32, #tpu.memory_space<vmem>> -> memref<1x128xi32, #tpu.memory_space<vmem>>
    %dma_wait3A_318 = tpu.memref_squeeze %dma_wait3A_317 : memref<1x128xi32, #tpu.memory_space<vmem>> -> memref<128xi32, #tpu.memory_space<vmem>>
    %dma_wait3A_319 = arith.constant 0 : i32
    %dma_wait3A_320 = tpu.memref_slice %arg5[%dma_wait3A_319] : memref<200000xf32, #tpu.memory_space<vmem_shared>> -> memref<200000xf32, #tpu.memory_space<vmem_shared>>
    tpu.wait_indirect_dma semaphore(%arg8 : memref<!tpu.dma_semaphore, #tpu.memory_space<semaphore_mem>>) src(%dma_wait3A_320 : memref<200000xf32, #tpu.memory_space<vmem_shared>>) dst(%dma_wait3A_315 : memref<128xf32, #tpu.memory_space<vmem>>)
    "tpu.region"() ({
      %run_scoped3A = tpu.sem_alloc : memref<!tpu.dma_semaphore, #tpu.memory_space<semaphore_mem>>
      %dma_start3A_321 = arith.constant 0 : i32
      %dma_start3A_322 = arith.constant 0 : i32
      %dma_start3A_323 = tpu.memref_slice %arg4[%add3A, %dma_start3A_321, %dma_start3A_322] : memref<32x16x128xf32, #tpu.memory_space<hbm>> -> memref<1x16x128xf32, #tpu.memory_space<hbm>>
      %dma_start3A_324 = tpu.memref_squeeze %dma_start3A_323 : memref<1x16x128xf32, #tpu.memory_space<hbm>> -> memref<16x128xf32, #tpu.memory_space<hbm>>
      %dma_start3A_325 = arith.constant 0 : i32
      %dma_start3A_326 = arith.constant 0 : i32
      %dma_start3A_327 = tpu.memref_slice %arg4[%add3A, %dma_start3A_325, %dma_start3A_326] : memref<32x16x128xf32, #tpu.memory_space<hbm>> -> memref<1x16x128xf32, #tpu.memory_space<hbm>>
      %dma_start3A_328 = tpu.memref_squeeze %dma_start3A_327 : memref<1x16x128xf32, #tpu.memory_space<hbm>> -> memref<16x128xf32, #tpu.memory_space<hbm>>
      tpu.enqueue_dma source(%arg7 : memref<16x128xf32, #tpu.memory_space<vmem>>) target(%dma_start3A_328 : memref<16x128xf32, #tpu.memory_space<hbm>>) target_semaphore(%run_scoped3A : memref<!tpu.dma_semaphore, #tpu.memory_space<semaphore_mem>>)
      %dma_wait3A_329 = arith.constant 0 : i32
      %dma_wait3A_330 = arith.constant 0 : i32
      %dma_wait3A_331 = tpu.memref_slice %arg4[%add3A, %dma_wait3A_329, %dma_wait3A_330] : memref<32x16x128xf32, #tpu.memory_space<hbm>> -> memref<1x16x128xf32, #tpu.memory_space<hbm>>
      %dma_wait3A_332 = tpu.memref_squeeze %dma_wait3A_331 : memref<1x16x128xf32, #tpu.memory_space<hbm>> -> memref<16x128xf32, #tpu.memory_space<hbm>>
      %dma_wait3A_333 = arith.constant 0 : i32
      %dma_wait3A_334 = arith.constant 0 : i32
      %dma_wait3A_335 = tpu.memref_slice %arg4[%add3A, %dma_wait3A_333, %dma_wait3A_334] : memref<32x16x128xf32, #tpu.memory_space<hbm>> -> memref<1x16x128xf32, #tpu.memory_space<hbm>>
      %dma_wait3A_336 = tpu.memref_squeeze %dma_wait3A_335 : memref<1x16x128xf32, #tpu.memory_space<hbm>> -> memref<16x128xf32, #tpu.memory_space<hbm>>
      tpu.wait_dma2 semaphore(%run_scoped3A : memref<!tpu.dma_semaphore, #tpu.memory_space<semaphore_mem>>) src(%arg7 : memref<16x128xf32, #tpu.memory_space<vmem>>) dst(%dma_wait3A_336 : memref<16x128xf32, #tpu.memory_space<hbm>>)
      tpu.yield
    }) : () -> ()
    return
  }
}

</mosaic_0001>

<sc_bundles>
// kernel: _sc_gather.3.cloned.1.call-start
scs
__scs_entry_jumppad:
0x0: {  	(pc) =	sbr.rel $0x88, $3  }
0x1: {  	(tag) =	ssettag $0x0;
	lr =	simm.s32 $0x1  }
0x2: {  	[smem:$0x3F9F] =	sst lr;
	_ =	strace $0xD0000000  }
0x3: {  	_ = 	snop  }
0x4: {  	_ = 	snop  }
0x5: {  	_ = 	snop  }
0x6: {  	_ = 	snop  }
0x7: {  	_ = 	snop  }
__scs_overlays_trampoline_lowered:
0x8: {  	[smem:$0x3FAE] =	sst s0  }
0x9: {  	[smem:$0x3FAF] =	sst s1  }
0xa: {  	[smem:$0x3FB0] =	sst s2  }
0xb: {  	[smem:$0x3FB1] =	sst s3  }
0xc: {  	[smem:$0x3FB2] =	sst s4  }
0xd: {  	[smem:$0x3FB3] =	sst s5  }
0xe: {  	[smem:$0x3FB4] =	sst s6  }
0xf: {  	[smem:$0x3FB5] =	sst s7  }
0x10: {  	[smem:$0x3FB6] =	sst s8  }
0x11: {  	[smem:$0x3FB7] =	sst s9;
	s0 =	simm.s32 @!p0 $0x0  }
0x12: {  	s1 =	sld [smem:$0x3F9D];
	s0 =	simm.s32 @p0 $0x1  }
0x13: {  	[smem:$0x3FB8] =	sst s0;
	s0 =	simm.s32 @!p1 $0x0  }
0x14: {  	s2 =	sld [smem:$0x3F9C];
	s0 =	simm.s32 @p1 $0x1  }
0x15: {  	[smem:$0x3FB9] =	sst s0;
	s0 =	simm.s32 @!p2 $0x0  }
0x16: {  	s3 =	sld [smem:$0x3FDB];
	s0 =	simm.s32 @p2 $0x1  }
0x17: {  	s4 =	simm.s32 $0x1BF5;
	[smem:$0x3FBB] =	sst s0  }
0x18: {  	s0 =	sld [smem:$0x3F9E];
	_ =	swait.ge [sflag:s4], $0x0  }
0x19: {  	s7 =	sld [smem:$0x3F9F]  }
0x1a: {  	s8 =	sadd.s32 $0xFFFFE003, lr  }
0x1b: {  	s9 =	sadd.s32 $0xFFFFFEF7, lr;
	s5 =	simm.s32 $0xFFFFFFFF;
	p2 =	slt.u32 s8, $0xFFFFF086  }
0x1c: {  	p1 =	slt.u32 s9, $0xF7A;
	s5 =	simm.s32 @!p2 $0x0  }
0x1d: {  	s5 =	simm.s32 @p1 $0x1;
	p0 =	seq.s32 s7, s2  }
0x1e: {  	s7 =	smul.u32 @!p0 $0xF7A, s2;
	p2 =	seq.s32 @!p0 s5, $0x0  }
0x1f: {  	s9 =	smul.u32 $0xF7A, s1;
	s8 =	simm.s32 @!p0 $0x1BF5;
	p2 =	por !p2, p0  }
0x20: {  	[sflag:s8] =	ssyncset.s32 @!p0 $0xFFFFF086;
	s6 =	sadd.s32 @!p0 s3, s7;
	s7 =	simm.s32 @!p0 $0x108  }
0x21: {  	s3 =	sadd.s32 s3, s9;
	s6 =	sadd.s32 @!p0 $0x88, s6;
	s7 =	simm.s32 @p2 $0x1082  }
0x22: {  	[simem:s7], [sflag:s8] =	dma.local @!p0 [hbm:s6], $0xF7A  }
0x23: {  	s9 =	sor.u32 $0xD0000000, s2;
	s6 =	simm.s32 $0x108;
	_ =	swait.ge @!p0 [sflag:s8], $0x0  }
0x24: {  	s3 =	sadd.s32 $0x88, s3;
	s6 =	simm.s32 @!p1 $0x1082;
	[sflag:s4] =	ssyncset.s32 $0xFFFFF086  }
0x25: {  	[simem:s6], [sflag:s4] =	dma.local [hbm:s3], $0xF7A  }
0x26: {  	[smem:$0x3F9F] =	sst s1;
	(tag) =	ssettag s2;
	_ =	strace s9  }
0x27: {  	s1 =	sld [smem:$0x3FAF]  }
0x28: {  	s2 =	sld [smem:$0x3FB0]  }
0x29: {  	s4 =	sld [smem:$0x3FB2]  }
0x2a: {  	p0 =	seq.s32 s5, $0x0;
	s5 =	sld [smem:$0x3FB3]  }
0x2b: {  	s6 =	sld [smem:$0x3FB4]  }
0x2c: {  	s7 =	sld [smem:$0x3FB5]  }
0x2d: {  	s3 =	simm.s32 $0x108;
	s8 =	sld [smem:$0x3FB6]  }
0x2e: {  	s3 =	simm.s32 @!p0 $0x1082;
	s9 =	sld [smem:$0x3FB7]  }
0x2f: {  	lr =	sadd.s32 s0, s3;
	s0 =	sld [smem:$0x3FAE]  }
0x30: {  	s3 =	sld [smem:$0x3FB1]  }
0x31: {  	[smem:$0x3FBA] =	sst s10  }
0x32: {  	s10 =	sld [smem:$0x3FB8];
	_ =	sdelay $0x3  }
0x33: {  	p0 =	seq.s32 s10, $0x1;
	s10 =	sld [smem:$0x3FBA];
	_ =	sdelay $0x3  }
0x34: {  	[smem:$0x3FBA] =	sst s10  }
0x35: {  	s10 =	sld [smem:$0x3FB9];
	_ =	sdelay $0x3  }
0x36: {  	p1 =	seq.s32 s10, $0x1;
	s10 =	sld [smem:$0x3FBA];
	_ =	sdelay $0x3  }
0x37: {  	[smem:$0x3FBA] =	sst s10  }
0x38: {  	s10 =	sld [smem:$0x3FBB]  }
0x39: {  	_ = 	snop;
	(pc) =	sbr.ind lr, $3  }
0x3a: {  	_ = 	snop  }
0x3b: {  	_ = 	snop  }
0x3c: {  	p2 =	seq.s32 s10, $0x1;
	s10 =	sld [smem:$0x3FBA]  }
0x3d: {  	_ =	shalt  }
0x3e: {  	_ =	shalt  }
0x3f: {  	_ =	shalt  }
0x40: {  	_ =	shalt  }
0x41: {  	_ =	shalt  }
0x42: {  	_ =	shalt  }
0x43: {  	_ =	shalt  }
0x44: {  	_ =	shalt  }
0x45: {  	_ =	shalt  }
0x46: {  	_ =	shalt  }
0x47: {  	_ =	shalt  }
0x48: {  	_ =	shalt  }
0x49: {  	_ =	shalt  }
0x4a: {  	_ =	shalt  }
0x4b: {  	_ =	shalt  }
0x4c: {  	_ =	shalt  }
0x4d: {  	_ =	shalt  }
0x4e: {  	_ =	shalt  }
0x4f: {  	_ =	shalt  }
0x50: {  	_ =	shalt  }
0x51: {  	_ =	shalt  }
0x52: {  	_ =	shalt  }
0x53: {  	_ =	shalt  }
0x54: {  	_ =	shalt  }
0x55: {  	_ =	shalt  }
0x56: {  	_ =	shalt  }
0x57: {  	_ =	shalt  }
0x58: {  	_ =	shalt  }
0x59: {  	_ =	shalt  }
0x5a: {  	_ =	shalt  }
0x5b: {  	_ =	shalt  }
0x5c: {  	_ =	shalt  }
0x5d: {  	_ =	shalt  }
0x5e: {  	_ =	shalt  }
0x5f: {  	_ =	shalt  }
0x60: {  	_ =	shalt  }
0x61: {  	_ =	shalt  }
0x62: {  	_ =	shalt  }
0x63: {  	_ =	shalt  }
0x64: {  	_ =	shalt  }
0x65: {  	_ =	shalt  }
0x66: {  	_ =	shalt  }
0x67: {  	_ =	shalt  }
0x68: {  	_ =	shalt  }
0x69: {  	_ =	shalt  }
0x6a: {  	_ =	shalt  }
0x6b: {  	_ =	shalt  }
0x6c: {  	_ =	shalt  }
0x6d: {  	_ =	shalt  }
0x6e: {  	_ =	shalt  }
0x6f: {  	_ =	shalt  }
0x70: {  	_ =	shalt  }
0x71: {  	_ =	shalt  }
0x72: {  	_ =	shalt  }
0x73: {  	_ =	shalt  }
0x74: {  	_ =	shalt  }
0x75: {  	_ =	shalt  }
0x76: {  	_ =	shalt  }
0x77: {  	_ =	shalt  }
0x78: {  	_ =	shalt  }
0x79: {  	_ =	shalt  }
0x7a: {  	_ =	shalt  }
0x7b: {  	_ =	shalt  }
0x7c: {  	_ =	shalt  }
0x7d: {  	_ =	shalt  }
0x7e: {  	_ =	shalt  }
0x7f: {  	_ =	shalt  }
0x80: {  	_ =	shalt  }
0x81: {  	_ =	shalt  }
0x82: {  	_ =	shalt  }
0x83: {  	_ =	shalt  }
0x84: {  	_ =	shalt  }
0x85: {  	_ =	shalt  }
0x86: {  	_ =	shalt  }
0x87: {  	_ =	shalt  }
.Lfunc_end0:
.L_simem_size_0:
called_computation_lowered:
.L_overlay_start_0:
0x88: {  	s2 =	sld [smem:$0x3FD9]  }
0x89: {  	s3 =	sld [smem:$0x3FFE];
	_ =	sdelay $0x1  }
0x8a: {  	s1 =	srdreg.scid  }
0x8b: {  	s0 =	sand.u32 $0x1, s1  }
0x8c: {  	s18 =	sshll.u32 s0, $0xA;
	s2 =	sadd.s32 s3, s2  }
0x8d: {  	s2 =	sadd.s32 s2, s18  }
0x8e: {  	[smem:$0x3FC6] =	sst s2  }
0x8f: {  	_ = 	snop  }
0x90: {  	s2 =	sld [smem:$0x3FC9]  }
0x91: {  	s19 =	sld [smem:$0x3FC8]  }
0x92: {  	s4 =	sld [smem:$0x3FD0];
	(tm) =	ssettm $0x1  }
0x93: {  	s5 =	sld [smem:$0x3FFB];
	_ =	sdelay $0x3  }
0x94: {  	_ =	strace s5  }
0x95: {  	s5 =	sld [smem:$0x3FFC];
	_ =	sdelay $0x3  }
0x96: {  	_ =	strace s5  }
0x97: {  	s5 =	sld [smem:$0x3FFD];
	_ =	sdelay $0x3  }
0x98: {  	_ =	strace s5  }
0x99: {  	_ =	strace $0x8FFFFFFF  }
0x9a: {  	s20 =	sld [smem:$0x3FDB];
	_ =	sdelay $0x1  }
0x9b: {  	s6 =	simm.s32 $_scs_section_size  }
0x9c: {  	s7 =	simm.s32 $_size__tile_overlayer_lowered;
	s8 =	simm.s32 $_tile_overlayer_lowered  }
0x9d: {  	s23 =	simm.s32 $0x1BFF;
	s22 =	sshll.u32 s8, $0x1;
	s5 =	sadd.s32 s6, s20  }
0x9e: {  	s9 =	simm.s32 $0x0;
	s21 =	sshll.u32 s7, $0x1;
	s7 =	sadd.s32 s22, s5  }
0x9f: {  	[timem:s9], [sflag:s23] =	dma.local [hbm:s7], s21  }
0xa0: {  	_ =	swait.ge [sflag:s23], s21  }
0xa1: {  	s6 =	ssub.s32 $0x0, s21;
	[sflag:s23] =	ssyncset.done $0x0  }
0xa2: {  	[sflag:s23] =	ssyncadd.s32 s6;
	_ =	sdelay $0x1  }
0xa3: {  	s24 =	simm.s32 $0x1B8B  }
0xa4: {  	_ =	swait.ge [sflag:s24], $0x1  }
0xa5: {  	[sflag:s24] =	ssyncset.done $0x0  }
0xa6: {  	s25 =	simm.s32 $0x1B8E;
	[sflag:s24] =	ssyncadd.s32 $0xFFFFFFFF  }
0xa7: {  	s26 =	simm.s32 $execute0_lowered;
	[smem:$0x3FD2] =	sst s25  }
0xa8: {  	s6 =	sshll.u32 s26, $0x1;
	_ =	strace $0x80000046;
	[dreg:$0x1] =	wrdreg $0xFFFFFFFF  }
0xa9: {  	s28 =	simm.s32 $_size_execute0_lowered;
	s5 =	sadd.s32 s5, s6;
	[dreg:$0x0] =	wrdreg $0x0  }
0xaa: {  	s6 =	sshll.u32 s28, $0x1;
	[dreg:$0x2] =	wrdreg s5  }
0xab: {  	[dreg:$0x3] =	wrdreg s6  }
0xac: {  	[dreg:$0x4] =	wrdreg $0xC0  }
0xad: {  	_ =	task [dreg:s9], $0x5FFFF  }
0xae: {  	[dreg:$0x1] =	wrdreg $0xFFFFFFFF  }
0xaf: {  	[dreg:$0x0] =	wrdreg $0x60  }
0xb0: {  	[dreg:$0x2] =	wrdreg s2  }
0xb1: {  	[dreg:$0x3] =	wrdreg s19  }
0xb2: {  	[dreg:$0x4] =	wrdreg s4  }
0xb3: {  	[dreg:$0x5] =	wrdreg $0x0  }
0xb4: {  	[dreg:$0x6] =	wrdreg $0x9  }
0xb5: {  	_ =	task.clear_ibuf [dreg:s9], $0x7FFFF;
	_ =	strace $0x90000046  }
0xb6: {  	s29 =	simm.s32 $0x9;
	_ =	strace $0x80000048  }
0xb7: {  	_ =	swait.ge [sflag:s29], $0x1  }
0xb8: {  	[sflag:s29] =	ssyncadd.s32 $0xFFFFFFFF  }
0xb9: {  	_ =	strace $0x90000048  }
0xba: {  	_ =	sfence  }
0xbb: {  	s30 =	sld [smem:$0x0];
	_ =	sdelay $0x2  }
0xbc: {  	s31 =	sshll.u32 s1, $0xD;
	s1 =	sshrl.u32 s1, $0x2  }
0xbd: {  	s3 =	sand.u32 $0x4000, s31;
	s1 =	sadd.s32 s1, s30  }
0xbe: {  	s0 =	sor.u32 s3, s0;
	s1 =	sshll.u32 s1, $0x11  }
0xbf: {  	s0 =	sor.u32 s1, s0  }
0xc0: {  	s0 =	sadd.s32 $0x8F2B, s0  }
0xc1: {  	[sflag:s0] =	ssyncadd.remote.s32 $0x1  }
0xc2: {  	_ =	sfence.sel $0xFFFF  }
0xc3: {  	[dreg:$0x0] =	wrdreg $0xFFFFFFFF;
	(pc) =	sbr.abs _section_cstart, $3  }
0xc4: {  	[dreg:$0x1] =	wrdreg $0xFFFFFFFF  }
0xc5: {  	_ =	task.clear_ibuf [dreg:s9], $0x2FFFF;
	_ =	strace $0x9FFFFFFF  }
0xc6: {  	(tm) =	ssettm $0x7FFFFFFF  }
0xc7: {  	_ =	shalt  }
tec
execute0_lowered:
.L_overlay_start_1:
0x0: {  	(tag) =	ssettag $0x1  }
0x1: {  	s0 =	rddreg [dreg:$0x0]  }
0x2: {  	s1 =	rddreg [dreg:$0x1]  }
0x3: {  	s2 =	rddreg [dreg:$0x2]  }
0x4: {  	s3 =	rddreg [dreg:$0x3]  }
0x5: {  	[dreg:$0x5] =	wrdreg s1;
	s1 =	simm.s32 $0x0  }
0x6: {  	s11 =	simm.s32 $0x3158;
	[smem:$0x7FF] =	sst s1  }
0x7: {  	s12 =	simm.s32 $0x3958;
	_ =	strace $0x80000047;
	[dreg:$0x9] =	wrdreg s11  }
0x8: {  	s13 =	simm.s32 $0x31D8;
	[dreg:$0xa] =	wrdreg s12  }
0x9: {  	s14 =	simm.s32 $0x39D8;
	[dreg:$0xb] =	wrdreg s13  }
0xa: {  	s9 =	srdreg.scid;
	s15 =	simm.s32 $0x3258;
	[dreg:$0xc] =	wrdreg s14  }
0xb: {  	s4 =	stileid.u32;
	s16 =	simm.s32 $0x3A58;
	[dreg:$0xd] =	wrdreg s15  }
0xc: {  	s17 =	simm.s32 $0x32D8;
	s18 =	simm.s32 $0x3AD8;
	[dreg:$0xe] =	wrdreg s16  }
0xd: {  	s19 =	simm.s32 $0x3358;
	s5 =	sand.u32 $0x1, s9;
	[dreg:$0xf] =	wrdreg s17  }
0xe: {  	s6 =	sshll.u32 s4, $0x9;
	s7 =	sshll.u32 s5, $0x8;
	[dreg:$0x10] =	wrdreg s18  }
0xf: {  	s20 =	simm.s32 $0x3B58;
	s6 =	sor.u32 s7, s6;
	[dreg:$0x11] =	wrdreg s19  }
0x10: {  	[dreg:$0x12] =	wrdreg s20;
	s0 =	sadd.s32 s0, s6  }
0x11: {  	p0 =	sne.s32 s4, $0x0;
	s10 =	sadd.s32 s2, s6;
	[dreg:$0x6] =	wrdreg s0  }
0x12: {  	[dreg:$0x7] =	wrdreg s10;
	s0 =	sshrl.u32 @!p0 s3, $0x3  }
0x13: {  	[dreg:$0x8] =	wrdreg s0  }
0x14: {  	s0 =	rddreg [dreg:$0x5]  }
0x15: {  	s7 =	simm.s32 @!p0 $0x2;
	s2 =	simm.s32 @!p0 $0x1C02;
	s4 =	rddreg [dreg:$0x8]  }
0x16: {  	[spmem:s4], [sflag:s2] =	dma.local @!p0 [hbm:s0], $0x61B0  }
0x17: {  	_ =	swait.ge @!p0 [sflag:s7], $0x61B0  }
0x18: {  	s9 =	simm.s32 $0x30D8;
	[sflag:s7] =	ssyncset.done @!p0 $0x0  }
0x19: {  	s2 =	simm.s32 $0x2;
	s21 =	rddreg [dreg:$0x6];
	[sflag:s7] =	ssyncadd.s32 @!p0 $0xFFFF9E50  }
0x1a: {  	[tilespmem:s9], [sflag:$0x2] =	stream.linear.gather [hbm4b:s21+s1], $0x800, $0x38;
	[tilespmem:$0x40D8] =	vst v63  }
0x1b: {  	_ =	swait.ge [sflag:s2], $0x800  }
0x1c: {  	s8 =	simm.s32 $0x80;
	[sflag:s2] =	ssyncset.done $0x0  }
0x1d: {  	s28 =	simm.s32 $0x3FD8;
	s29 =	simm.s32 $0x3858;
	[sflag:s2] =	ssyncadd.s32 $0xFFFFF800  }
0x1e: {  	s30 =	simm.s32 $0x4058;
	s22 =	ssub.s32 $0x2, s5;
	[bflag:$0x0] =	sbarrier.arrive $0xFFFF  }
0x1f: {  	s5 =	simm.s32 $0x1;
	s23 =	sshrl.u32 s22, $0x1;
	s24 =	rddreg [dreg:$0x9]  }
0x20: {  	s13 =	simm.s32 $0x3C58;
	s14 =	simm.s32 $0x34D8;
	s25 =	rddreg [dreg:$0xa]  }
0x21: {  	s15 =	simm.s32 $0x3CD8;
	s16 =	simm.s32 $0x3558;
	s20 =	rddreg [dreg:$0xb]  }
0x22: {  	s0 =	ssub.s32 s22, s23;
	s4 =	simm.s32 $0x38D8;
	s21 =	rddreg [dreg:$0xc]  }
0x23: {  	[tilespmem:s4], [sflag:$0x1] =	stream.indirect.gather [spmem:s3], $0x1, s9, s8, $0xb8;
	[tilespmem:$0x40D8] =	vst v63  }
0x24: {  	s17 =	simm.s32 $0x3D58;
	s0 =	smax.u32 s0, $0x1;
	s23 =	rddreg [dreg:$0xe]  }
0x25: {  	s18 =	simm.s32 $0x35D8;
	s31 =	sadd.s32 $0xFFFFFFFF, s0;
	s26 =	rddreg [dreg:$0xd]  }
0x26: {  	s19 =	simm.s32 $0x3DD8;
	p1 =	sne.s32 s31, $0x0;
	s0 =	rddreg [dreg:$0x10]  }
0x27: {  	[tilespmem:s25], [sflag:$0x1] =	stream.indirect.gather [spmem:s3], $0x1, s24, s8, $0xb8;
	[tilespmem:$0x40D8] =	vst v63  }
.Ltmp0:
0x28: {  	s22 =	simm.s32 $0x36D8;
	s6 =	rddreg [dreg:$0xf];
	(pc) =	sbr.rel @!p1 .LBB2_2-.Ltmp0, $4  }
0x29: {  	[tilespmem:s21], [sflag:$0x1] =	stream.indirect.gather [spmem:s3], $0x1, s20, s8, $0xb8;
	[tilespmem:$0x40D8] =	vst v63  }
0x2a: {  	s24 =	simm.s32 $0x3758;
	s25 =	simm.s32 $0x3F58;
	s20 =	simm.s32 $0x3658  }
0x2b: {  	[tilespmem:s23], [sflag:$0x1] =	stream.indirect.gather [spmem:s3], $0x1, s26, s8, $0xb8;
	[tilespmem:$0x40D8] =	vst v63  }
0x2c: {  	s21 =	simm.s32 $0x3E58;
	s23 =	simm.s32 $0x3ED8;
	s26 =	simm.s32 $0x37D8  }
.LBB2_1:
0x2d: {  	s10 =	rddreg [dreg:$0x12]  }
0x2e: {  	[tilespmem:s0], [sflag:$0x1] =	stream.indirect.gather [spmem:s3], $0x1, s6, s8, $0xb8;
	[tilespmem:$0x40D8] =	vst v63  }
0x2f: {  	s11 =	rddreg [dreg:$0x11]  }
0x30: {  	[tilespmem:s10], [sflag:$0x1] =	stream.indirect.gather [spmem:s3], $0x1, s11, s8, $0xb8;
	[tilespmem:$0x40D8] =	vst v63  }
0x31: {  	s12 =	simm.s32 $0x3BD8;
	s11 =	simm.s32 $0x33D8  }
0x32: {  	[tilespmem:s12], [sflag:$0x1] =	stream.indirect.gather [spmem:s3], $0x1, s11, s8, $0xb8;
	[tilespmem:$0x40D8] =	vst v63  }
0x33: {  	s10 =	simm.s32 $0x3458  }
0x34: {  	[tilespmem:s13], [sflag:$0x1] =	stream.indirect.gather [spmem:s3], $0x1, s10, s8, $0xb8;
	[tilespmem:$0x40D8] =	vst v63  }
0x35: {  	_ = 	snop  }
0x36: {  	[tilespmem:s15], [sflag:$0x1] =	stream.indirect.gather [spmem:s3], $0x1, s14, s8, $0xb8;
	[tilespmem:$0x40D8] =	vst v63  }
0x37: {  	_ = 	snop  }
0x38: {  	[tilespmem:s17], [sflag:$0x1] =	stream.indirect.gather [spmem:s3], $0x1, s16, s8, $0xb8;
	[tilespmem:$0x40D8] =	vst v63  }
0x39: {  	_ = 	snop  }
0x3a: {  	[tilespmem:s19], [sflag:$0x1] =	stream.indirect.gather [spmem:s3], $0x1, s18, s8, $0xb8;
	[tilespmem:$0x40D8] =	vst v63  }
0x3b: {  	_ = 	snop  }
0x3c: {  	[tilespmem:s21], [sflag:$0x1] =	stream.indirect.gather [spmem:s3], $0x1, s20, s8, $0xb8;
	[tilespmem:$0x40D8] =	vst v63  }
0x3d: {  	_ = 	snop  }
0x3e: {  	[tilespmem:s23], [sflag:$0x1] =	stream.indirect.gather [spmem:s3], $0x1, s22, s8, $0xb8;
	[tilespmem:$0x40D8] =	vst v63  }
0x3f: {  	_ = 	snop  }
0x40: {  	[tilespmem:s25], [sflag:$0x1] =	stream.indirect.gather [spmem:s3], $0x1, s24, s8, $0xb8;
	[tilespmem:$0x40D8] =	vst v63  }
0x41: {  	_ = 	snop  }
0x42: {  	[tilespmem:s28], [sflag:$0x1] =	stream.indirect.gather [spmem:s3], $0x1, s26, s8, $0xb8;
	[tilespmem:$0x40D8] =	vst v63  }
0x43: {  	_ = 	snop  }
0x44: {  	[tilespmem:s30], [sflag:$0x1] =	stream.indirect.gather [spmem:s3], $0x1, s29, s8, $0xb8;
	[tilespmem:$0x40D8] =	vst v63  }
0x45: {  	_ =	swait.ge [sflag:s5], $0x80  }
0x46: {  	[sflag:s5] =	ssyncset.done $0x0  }
0x47: {  	[sflag:s5] =	ssyncadd.s32 $0xFFFFFF80  }
0x48: {  	_ =	swait.ge [sflag:s5], $0x80  }
0x49: {  	[sflag:s5] =	ssyncset.done $0x0  }
0x4a: {  	[sflag:s5] =	ssyncadd.s32 $0xFFFFFF80  }
0x4b: {  	_ =	swait.ge [sflag:s5], $0x80  }
0x4c: {  	[sflag:s5] =	ssyncset.done $0x0  }
0x4d: {  	[sflag:s5] =	ssyncadd.s32 $0xFFFFFF80  }
0x4e: {  	_ =	swait.ge [sflag:s5], $0x80  }
0x4f: {  	[sflag:s5] =	ssyncset.done $0x0  }
0x50: {  	[sflag:s5] =	ssyncadd.s32 $0xFFFFFF80  }
0x51: {  	_ =	swait.ge [sflag:s5], $0x80  }
0x52: {  	[sflag:s5] =	ssyncset.done $0x0  }
0x53: {  	[sflag:s5] =	ssyncadd.s32 $0xFFFFFF80  }
0x54: {  	_ =	swait.ge [sflag:s5], $0x80  }
0x55: {  	[sflag:s5] =	ssyncset.done $0x0  }
0x56: {  	[sflag:s5] =	ssyncadd.s32 $0xFFFFFF80  }
0x57: {  	_ =	swait.ge [sflag:s5], $0x80  }
0x58: {  	[sflag:s5] =	ssyncset.done $0x0  }
0x59: {  	[sflag:s5] =	ssyncadd.s32 $0xFFFFFF80  }
0x5a: {  	_ =	swait.ge [sflag:s5], $0x80  }
0x5b: {  	[sflag:s5] =	ssyncset.done $0x0  }
0x5c: {  	[sflag:s5] =	ssyncadd.s32 $0xFFFFFF80  }
0x5d: {  	_ =	swait.ge [sflag:s5], $0x80  }
0x5e: {  	[sflag:s5] =	ssyncset.done $0x0  }
0x5f: {  	[sflag:s5] =	ssyncadd.s32 $0xFFFFFF80  }
0x60: {  	_ =	swait.ge [sflag:s5], $0x80  }
0x61: {  	[sflag:s5] =	ssyncset.done $0x0  }
0x62: {  	[sflag:s5] =	ssyncadd.s32 $0xFFFFFF80  }
0x63: {  	_ =	swait.ge [sflag:s5], $0x80  }
0x64: {  	[sflag:s5] =	ssyncset.done $0x0  }
0x65: {  	[sflag:s5] =	ssyncadd.s32 $0xFFFFFF80  }
0x66: {  	_ =	swait.ge [sflag:s5], $0x80  }
0x67: {  	[sflag:s5] =	ssyncset.done $0x0  }
0x68: {  	[sflag:s5] =	ssyncadd.s32 $0xFFFFFF80  }
0x69: {  	_ =	swait.ge [sflag:s5], $0x80  }
0x6a: {  	[sflag:s5] =	ssyncset.done $0x0  }
0x6b: {  	[sflag:s5] =	ssyncadd.s32 $0xFFFFFF80  }
0x6c: {  	_ =	swait.ge [sflag:s5], $0x80  }
0x6d: {  	[sflag:s5] =	ssyncset.done $0x0  }
0x6e: {  	[sflag:s5] =	ssyncadd.s32 $0xFFFFFF80  }
0x6f: {  	_ =	swait.ge [sflag:s5], $0x80  }
0x70: {  	[sflag:s5] =	ssyncset.done $0x0  }
0x71: {  	[sflag:s5] =	ssyncadd.s32 $0xFFFFFF80  }
0x72: {  	_ =	swait.ge [sflag:s5], $0x80  }
0x73: {  	[sflag:s5] =	ssyncset.done $0x0  }
0x74: {  	s11 =	rddreg [dreg:$0x7];
	[sflag:s5] =	ssyncadd.s32 $0xFFFFFF80  }
0x75: {  	[hbm4b:s11+s1] =	stream.linear.scatter [tilespmem:s4], [sflag:$0x2], $0x800, $0x38;
	[tilespmem:$0x40D8] =	vst v63  }
0x76: {  	_ =	swait.ge [sflag:s2], $0x800  }
0x77: {  	s0 =	rddreg [dreg:$0x5];
	[sflag:s2] =	ssyncset.done $0x0  }
0x78: {  	s10 =	simm.s32 @!p0 $0x1C02;
	s6 =	rddreg [dreg:$0x8];
	[sflag:s2] =	ssyncadd.s32 $0xFFFFF800  }
0x79: {  	[spmem:s6], [sflag:s10] =	dma.local @!p0 [hbm:s0], $0x61B0  }
0x7a: {  	_ =	swait.ge @!p0 [sflag:s7], $0x61B0  }
0x7b: {  	[sflag:s7] =	ssyncset.done @!p0 $0x0  }
0x7c: {  	s12 =	rddreg [dreg:$0x6];
	[sflag:s7] =	ssyncadd.s32 @!p0 $0xFFFF9E50  }
0x7d: {  	[tilespmem:s9], [sflag:$0x2] =	stream.linear.gather [hbm4b:s12+s1], $0x800, $0x38;
	[tilespmem:$0x40D8] =	vst v63  }
0x7e: {  	_ =	swait.ge [sflag:s2], $0x800  }
0x7f: {  	[sflag:s2] =	ssyncset.done $0x0  }
0x80: {  	[sflag:s2] =	ssyncadd.s32 $0xFFFFF800  }
0x81: {  	[bflag:$0x0] =	sbarrier.arrive $0xFFFF  }
0x82: {  	s0 =	rddreg [dreg:$0x9]  }
0x83: {  	s6 =	rddreg [dreg:$0xa]  }
0x84: {  	s10 =	rddreg [dreg:$0xb]  }
0x85: {  	s31 =	sadd.s32 $0xFFFFFFFF, s31;
	s11 =	rddreg [dreg:$0xc]  }
0x86: {  	[tilespmem:s4], [sflag:$0x1] =	stream.indirect.gather [spmem:s3], $0x1, s9, s8, $0xb8;
	[tilespmem:$0x40D8] =	vst v63  }
0x87: {  	p1 =	sne.s32 s31, $0x0;
	s12 =	rddreg [dreg:$0xe]  }
0x88: {  	[tilespmem:s6], [sflag:$0x1] =	stream.indirect.gather [spmem:s3], $0x1, s0, s8, $0xb8;
	[tilespmem:$0x40D8] =	vst v63  }
.Ltmp1:
0x89: {  	s6 =	rddreg [dreg:$0xd];
	(pc) =	sbr.rel @p1 .LBB2_1-.Ltmp1, $4  }
0x8a: {  	[tilespmem:s11], [sflag:$0x1] =	stream.indirect.gather [spmem:s3], $0x1, s10, s8, $0xb8;
	[tilespmem:$0x40D8] =	vst v63  }
0x8b: {  	s0 =	rddreg [dreg:$0x10]  }
0x8c: {  	[tilespmem:s12], [sflag:$0x1] =	stream.indirect.gather [spmem:s3], $0x1, s6, s8, $0xb8;
	[tilespmem:$0x40D8] =	vst v63  }
0x8d: {  	s6 =	rddreg [dreg:$0xf]  }
.LBB2_2:
0x8e: {  	s7 =	rddreg [dreg:$0x12]  }
0x8f: {  	[tilespmem:s0], [sflag:$0x1] =	stream.indirect.gather [spmem:s3], $0x1, s6, s8, $0xb8;
	[tilespmem:$0x40D8] =	vst v63  }
0x90: {  	s9 =	rddreg [dreg:$0x11]  }
0x91: {  	[tilespmem:s7], [sflag:$0x1] =	stream.indirect.gather [spmem:s3], $0x1, s9, s8, $0xb8;
	[tilespmem:$0x40D8] =	vst v63  }
0x92: {  	s10 =	simm.s32 $0x33D8;
	s11 =	simm.s32 $0x3BD8  }
0x93: {  	[tilespmem:s11], [sflag:$0x1] =	stream.indirect.gather [spmem:s3], $0x1, s10, s8, $0xb8;
	[tilespmem:$0x40D8] =	vst v63  }
0x94: {  	s12 =	simm.s32 $0x3458  }
0x95: {  	[tilespmem:s13], [sflag:$0x1] =	stream.indirect.gather [spmem:s3], $0x1, s12, s8, $0xb8;
	[tilespmem:$0x40D8] =	vst v63  }
0x96: {  	_ = 	snop  }
0x97: {  	[tilespmem:s15], [sflag:$0x1] =	stream.indirect.gather [spmem:s3], $0x1, s14, s8, $0xb8;
	[tilespmem:$0x40D8] =	vst v63  }
0x98: {  	_ = 	snop  }
0x99: {  	[tilespmem:s17], [sflag:$0x1] =	stream.indirect.gather [spmem:s3], $0x1, s16, s8, $0xb8;
	[tilespmem:$0x40D8] =	vst v63  }
0x9a: {  	_ = 	snop  }
0x9b: {  	[tilespmem:s19], [sflag:$0x1] =	stream.indirect.gather [spmem:s3], $0x1, s18, s8, $0xb8;
	[tilespmem:$0x40D8] =	vst v63  }
0x9c: {  	_ = 	snop  }
0x9d: {  	[tilespmem:s21], [sflag:$0x1] =	stream.indirect.gather [spmem:s3], $0x1, s20, s8, $0xb8;
	[tilespmem:$0x40D8] =	vst v63  }
0x9e: {  	_ = 	snop  }
0x9f: {  	[tilespmem:s23], [sflag:$0x1] =	stream.indirect.gather [spmem:s3], $0x1, s22, s8, $0xb8;
	[tilespmem:$0x40D8] =	vst v63  }
0xa0: {  	_ = 	snop  }
0xa1: {  	[tilespmem:s25], [sflag:$0x1] =	stream.indirect.gather [spmem:s3], $0x1, s24, s8, $0xb8;
	[tilespmem:$0x40D8] =	vst v63  }
0xa2: {  	_ = 	snop  }
0xa3: {  	[tilespmem:s28], [sflag:$0x1] =	stream.indirect.gather [spmem:s3], $0x1, s26, s8, $0xb8;
	[tilespmem:$0x40D8] =	vst v63  }
0xa4: {  	_ = 	snop  }
0xa5: {  	[tilespmem:s30], [sflag:$0x1] =	stream.indirect.gather [spmem:s3], $0x1, s29, s8, $0xb8;
	[tilespmem:$0x40D8] =	vst v63  }
0xa6: {  	_ =	swait.ge [sflag:s5], $0x80  }
0xa7: {  	[sflag:s5] =	ssyncset.done $0x0  }
0xa8: {  	[sflag:s5] =	ssyncadd.s32 $0xFFFFFF80  }
0xa9: {  	_ =	swait.ge [sflag:s5], $0x80  }
0xaa: {  	[sflag:s5] =	ssyncset.done $0x0  }
0xab: {  	[sflag:s5] =	ssyncadd.s32 $0xFFFFFF80  }
0xac: {  	_ =	swait.ge [sflag:s5], $0x80  }
0xad: {  	[sflag:s5] =	ssyncset.done $0x0  }
0xae: {  	[sflag:s5] =	ssyncadd.s32 $0xFFFFFF80  }
0xaf: {  	_ =	swait.ge [sflag:s5], $0x80  }
0xb0: {  	[sflag:s5] =	ssyncset.done $0x0  }
0xb1: {  	[sflag:s5] =	ssyncadd.s32 $0xFFFFFF80  }
0xb2: {  	_ =	swait.ge [sflag:s5], $0x80  }
0xb3: {  	[sflag:s5] =	ssyncset.done $0x0  }
0xb4: {  	[sflag:s5] =	ssyncadd.s32 $0xFFFFFF80  }
0xb5: {  	_ =	swait.ge [sflag:s5], $0x80  }
0xb6: {  	[sflag:s5] =	ssyncset.done $0x0  }
0xb7: {  	[sflag:s5] =	ssyncadd.s32 $0xFFFFFF80  }
0xb8: {  	_ =	swait.ge [sflag:s5], $0x80  }
0xb9: {  	[sflag:s5] =	ssyncset.done $0x0  }
0xba: {  	[sflag:s5] =	ssyncadd.s32 $0xFFFFFF80  }
0xbb: {  	_ =	swait.ge [sflag:s5], $0x80  }
0xbc: {  	[sflag:s5] =	ssyncset.done $0x0  }
0xbd: {  	[sflag:s5] =	ssyncadd.s32 $0xFFFFFF80  }
0xbe: {  	_ =	swait.ge [sflag:s5], $0x80  }
0xbf: {  	[sflag:s5] =	ssyncset.done $0x0  }
0xc0: {  	[sflag:s5] =	ssyncadd.s32 $0xFFFFFF80  }
0xc1: {  	_ =	swait.ge [sflag:s5], $0x80  }
0xc2: {  	[sflag:s5] =	ssyncset.done $0x0  }
0xc3: {  	[sflag:s5] =	ssyncadd.s32 $0xFFFFFF80  }
0xc4: {  	_ =	swait.ge [sflag:s5], $0x80  }
0xc5: {  	[sflag:s5] =	ssyncset.done $0x0  }
0xc6: {  	[sflag:s5] =	ssyncadd.s32 $0xFFFFFF80  }
0xc7: {  	_ =	swait.ge [sflag:s5], $0x80  }
0xc8: {  	[sflag:s5] =	ssyncset.done $0x0  }
0xc9: {  	[sflag:s5] =	ssyncadd.s32 $0xFFFFFF80  }
0xca: {  	_ =	swait.ge [sflag:s5], $0x80  }
0xcb: {  	[sflag:s5] =	ssyncset.done $0x0  }
0xcc: {  	[sflag:s5] =	ssyncadd.s32 $0xFFFFFF80  }
0xcd: {  	_ =	swait.ge [sflag:s5], $0x80  }
0xce: {  	[sflag:s5] =	ssyncset.done $0x0  }
0xcf: {  	[sflag:s5] =	ssyncadd.s32 $0xFFFFFF80  }
0xd0: {  	_ =	swait.ge [sflag:s5], $0x80  }
0xd1: {  	[sflag:s5] =	ssyncset.done $0x0  }
0xd2: {  	[sflag:s5] =	ssyncadd.s32 $0xFFFFFF80  }
0xd3: {  	_ =	swait.ge [sflag:s5], $0x80  }
0xd4: {  	[sflag:s5] =	ssyncset.done $0x0  }
0xd5: {  	s31 =	rddreg [dreg:$0x7];
	[sflag:s5] =	ssyncadd.s32 $0xFFFFFF80  }
0xd6: {  	[hbm4b:s31+s1] =	stream.linear.scatter [tilespmem:s4], [sflag:$0x2], $0x800, $0x38;
	[tilespmem:$0x40D8] =	vst v63  }
0xd7: {  	_ =	swait.ge [sflag:s2], $0x800  }
0xd8: {  	[sflag:s2] =	ssyncset.done $0x0  }
0xd9: {  	[sflag:s2] =	ssyncadd.s32 $0xFFFFF800  }
0xda: {  	_ =	sfence.sel $0x180000  }
0xdb: {  	[bflag:$0x0] =	sbarrier.arrive $0xFFFF  }
0xdc: {  	_ =	strace $0x90000047  }
0xdd: {  	[bflag:$0x2] =	sbarrier.arrive $0xFFFF  }
0xde: {  	s0 =	rddreg [dreg:$0x4]  }
0xdf: {  	s0 =	sadd.s32 @!p0 $0x100000, s0  }
0xe0: {  	[sflag:s0] =	ssyncadd.tile.s32 @!p0 $0x1;
	_ =	shalt  }
.Lfunc_end2:
_tile_overlayer_lowered:
.L_overlay_start_2:
0xe1: {  	(tag) =	ssettag $0x2  }
0xe2: {  	s0 =	rddreg [dreg:$0x0];
	s2 =	stileid.u32  }
0xe3: {  	s1 =	rddreg [dreg:$0x1];
	p0 =	sne.s32 s2, $0x0  }
0xe4: {  	s3 =	rddreg [dreg:$0x2];
	[bflag:$0x3] =	sbarrier.arrive $0xFFFF;
	s2 =	simm.s32 @!p0 $0x1C02  }
0xe5: {  	[timem:s3], [sflag:s2] =	dma.local @!p0 [hbm:s0], s1  }
0xe6: {  	s0 =	simm.s32 @!p0 $0x2  }
0xe7: {  	_ =	swait.ge @!p0 [sflag:s0], s1  }
0xe8: {  	s1 =	ssub.s32 @!p0 $0x0, s1;
	[sflag:s0] =	ssyncset.done @!p0 $0x0  }
0xe9: {  	[sflag:s0] =	ssyncadd.s32 @!p0 s1  }
0xea: {  	[bflag:$0x3] =	sbarrier.arrive $0xFFFF  }
0xeb: {  	_ =	shalt  }

</sc_bundles>
